<compile_context>
chip_gen: v7x
topology: tpu7x:2x2x1
jax: 0.10.2.dev20260603
libtpu: 0.0.44.dev20260713+nightly
codegen_flags: <defaults>
</compile_context>

<pallas_src>
import jax
import jax.numpy as jnp
from jax import lax
from jax.experimental import pallas as pl
from jax.experimental.pallas import tpu as pltpu
from jax.experimental.pallas import tpu_sc as plsc

BLANK = 5
NC, NS, L = 2, 16, 16
NW = NC * NS

B, S, D = 4, 4096, 768
N = B * S
NPW = N // NW
CH = 32
NCHUNK = NPW // CH
NBUF = 4
PF = 2
WPR = S // NPW

HALO = 8
LX = HALO + NPW + 16
NT = D // L


def _body(x_hbm, table_hbm, out_hbm, *scr):
    lx = scr[0]
    bufs = scr[1:1 + NBUF]
    prow = scr[1 + NBUF]
    gsems = scr[2 + NBUF:2 + 2 * NBUF]
    ssems = scr[2 + 2 * NBUF:2 + 3 * NBUF]
    psem = scr[2 + 3 * NBUF]
    wid = lax.axis_index("s") * NC + lax.axis_index("c")
    base = wid * NPW
    row_start = (wid % WPR) == 0

    lx[pl.ds(0, 16)] = jnp.full((16,), BLANK, jnp.int32)
    lx[pl.ds(HALO + NPW, 16)] = jnp.zeros((16,), jnp.int32)
    pltpu.sync_copy(x_hbm.at[pl.ds(base, NPW)], lx.at[pl.ds(HALO, NPW)])

    @pl.when(jnp.logical_not(row_start))
    def _():
        pltpu.sync_copy(x_hbm.at[pl.ds(base - HALO, HALO)], lx.at[pl.ds(0, HALO)])

    def _gather(c, bufref, sem):
        return pltpu.make_async_copy(
            table_hbm.at[lx.at[pl.ds(HALO + c * CH, CH)]], bufref, sem)

    def _scatter(c, bufref, sem):
        return pltpu.make_async_copy(
            bufref, out_hbm.at[pl.ds(base + c * CH, CH)], sem)

    def _patch(c, bufb):
        start = c * CH
        any_blank = lx[pl.ds(start + 4, 16)] == BLANK
        for m in range(1, (CH + 16 + 15) // 16):
            any_blank = any_blank | (lx[pl.ds(start + 4 + m * 16, 16)] == BLANK)
        cnt = plsc.all_reduce_population_count(any_blank)[0]

        @pl.when(cnt > 0)
        def _():
            def qbody(qi, carry):
                q = start - 4 + qi
                pair = lx[pl.ds(q + HALO, 16)]
                a = pair[0]
                nxt = pair[1]

                @pl.when((nxt == BLANK) & (a != BLANK))
                def _():
                    idx = jnp.full((L,), a, jnp.int32)
                    pltpu.async_copy(table_hbm.at[idx], prow, psem).wait()
                    lo = jnp.maximum(1, start - q)
                    hi = jnp.minimum(4, start + CH - 1 - q) + 1

                    def kbody(k, carry2):
                        p = q + k - start

                        def tbody(t, carry3):
                            sl = pl.ds(t * L, L)
                            bufb[p, sl] = bufb[p, sl] + prow[0, sl]
                            return carry3

                        return lax.fori_loop(0, NT, tbody, carry2)

                    lax.fori_loop(lo, hi, kbody, jnp.int32(0))
                return carry

            lax.fori_loop(0, CH + 3, qbody, jnp.int32(0))

    for c0 in range(PF):
        _gather(c0, bufs[c0], gsems[c0]).start()

    def group(gidx, carry):
        cbase = gidx * NBUF
        for b in range(NBUF):
            c = cbase + b
            bn = (b + PF) % NBUF

            @pl.when(c + PF < NCHUNK)
            def _():
                @pl.when(c + PF >= NBUF)
                def _():
                    _scatter(c + PF - NBUF, bufs[bn], ssems[bn]).wait()

                _gather(c + PF, bufs[bn], gsems[bn]).start()

            _gather(c, bufs[b], gsems[b]).wait()
            _patch(c, bufs[b])
            _scatter(c, bufs[b], ssems[b]).start()
        return carry

    lax.fori_loop(0, NCHUNK // NBUF, group, jnp.int32(0))

    for c0 in range(NCHUNK - NBUF, NCHUNK):
        b = c0 % NBUF
        _scatter(c0, bufs[b], ssems[b]).wait()


def kernel(x, table):
    assert x.shape == (B, S) and table.shape[1] == D
    xf = x.reshape(N)
    mesh = plsc.VectorSubcoreMesh(core_axis_name="c", subcore_axis_name="s")
    out = pl.kernel(
        _body,
        out_type=jax.ShapeDtypeStruct((N, D), jnp.float32),
        mesh=mesh,
        compiler_params=pltpu.CompilerParams(needs_layout_passes=False),
        scratch_types=(
            [pltpu.VMEM((LX,), jnp.int32)]
            + [pltpu.VMEM((CH, D), jnp.float32) for _ in range(NBUF)]
            + [pltpu.VMEM((L, D), jnp.float32)]
            + [pltpu.SemaphoreType.DMA for _ in range(2 * NBUF + 1)]
        ),
    )(xf, table)
    return out.reshape(B, S, D)

# --- scband reference (transcript-rebuilt; emitter-appended) ---
"""Pipeline reference for scband-blank-embedding-36902359007247 (READ-ONLY COPY).

The authoritative reference and input builder live on the scoring server;
editing this copy changes nothing except your own understanding.
"""

import jax, jax.numpy as jnp
import numpy as np

VOCAB_SIZE = 100000
EMBED_DIM = 768
BLANK_TOKEN_ID = 5
N_BLANKS = 4


def shift_right(x):
    # shift along sequence dim (axis=1), pad first position with zeros
    return jnp.concatenate([jnp.zeros_like(x[:, :1]), x[:, :-1]], axis=1)


def shift_left(x):
    # shift along sequence dim (axis=1), pad last position with zeros
    return jnp.concatenate([x[:, 1:], jnp.zeros_like(x[:, :1])], axis=1)


def get_first_blanks_in_series(is_blank):
    # 1.0 at positions where a contiguous run of blanks begins
    ib = is_blank.astype(jnp.float32)
    return jax.nn.relu(ib - shift_right(ib))


def setup_inputs(seed: int = 0) -> dict:
    key = jax.random.key(seed)
    k_idx, k_tab = jax.random.split(key)
    x = jax.random.randint(k_idx, (4, 4096), 0, 1000, dtype=jnp.int32)
    table = jax.random.normal(k_tab, (VOCAB_SIZE, EMBED_DIM), dtype=jnp.float32)
    return {"x": x, "table": table}


def reference(x, table):
    # embedding lookup (gather)
    embedding_output = jnp.take(table, x, axis=0)  # [B, S, D]
    is_blank = (x == BLANK_TOKEN_ID)
    is_first_blank = get_first_blanks_in_series(is_blank)  # [B, S]
    is_preblank = shift_left(is_first_blank)  # [B, S]
    preblank_embedding_output = embedding_output * is_preblank[..., None]
    out = embedding_output
    for _ in range(N_BLANKS):
        preblank_embedding_output = shift_right(preblank_embedding_output)
        out = out + preblank_embedding_output
    return out

if __name__ == "__main__":
    import jax
    _d = setup_inputs()
    print(jax.jit(kernel)(*tuple(_d.values())))

</pallas_src>

<mosaic_0001>
#map = affine_map<(d0, d1) -> (0)>
#map1 = affine_map<(d0, d1) -> (0, 0)>
module attributes {stable_mosaic.version = 14 : i64} {
  func.func @_body(%arg0: i32, %arg1: i32, %arg2: memref<16384xi32, #tpu.memory_space<hbm>>, %arg3: memref<100000x768xf32, #tpu.memory_space<hbm>>, %arg4: memref<16384x768xf32, #tpu.memory_space<hbm>>, %arg5: memref<536xi32, #tpu.memory_space<vmem>>, %arg6: memref<32x768xf32, #tpu.memory_space<vmem>>, %arg7: memref<32x768xf32, #tpu.memory_space<vmem>>, %arg8: memref<32x768xf32, #tpu.memory_space<vmem>>, %arg9: memref<32x768xf32, #tpu.memory_space<vmem>>, %arg10: memref<16x768xf32, #tpu.memory_space<vmem>>, %arg11: memref<!tpu.dma_semaphore, #tpu.memory_space<semaphore_mem>>, %arg12: memref<!tpu.dma_semaphore, #tpu.memory_space<semaphore_mem>>, %arg13: memref<!tpu.dma_semaphore, #tpu.memory_space<semaphore_mem>>, %arg14: memref<!tpu.dma_semaphore, #tpu.memory_space<semaphore_mem>>, %arg15: memref<!tpu.dma_semaphore, #tpu.memory_space<semaphore_mem>>, %arg16: memref<!tpu.dma_semaphore, #tpu.memory_space<semaphore_mem>>, %arg17: memref<!tpu.dma_semaphore, #tpu.memory_space<semaphore_mem>>, %arg18: memref<!tpu.dma_semaphore, #tpu.memory_space<semaphore_mem>>, %arg19: memref<!tpu.dma_semaphore, #tpu.memory_space<semaphore_mem>>) attributes {dimension_semantics = [#tpu.dimension_semantics<core_parallel>, #tpu.dimension_semantics<subcore_parallel>], iteration_bounds = array<i64: 2, 16>, scalar_prefetch = 0 : i64, scratch_operands = 15 : i64, tpu.core_type = #tpu.core_type<sc_vector_subcore>, window_params = [{transform_indices = #map}, {transform_indices = #map1}, {transform_indices = #map1}]} {
    %mul3A = arith.constant 2 : i32
    %mul3A_0 = arith.muli %arg1, %mul3A : i32
    %add3A = arith.addi %mul3A_0, %arg0 : i32
    %mul3A_1 = arith.constant 512 : i32
    %mul3A_2 = arith.muli %add3A, %mul3A_1 : i32
    %jit3A = arith.constant 8 : i32
    %eq3A = arith.constant 0 : i32
    %eq3A_3 = arith.cmpi eq, %jit3A, %eq3A : i32
    %jit3A_4 = arith.constant 1 : i32
    %select_n3A = arith.select %eq3A_3, %jit3A_4, %jit3A : i32
    %rem3A = arith.remsi %add3A, %select_n3A : i32
    %ne3A = arith.constant 0 : i32
    %ne3A_5 = arith.cmpi ne, %rem3A, %ne3A : i32
    %lt3A = arith.constant 0 : i32
    %lt3A_6 = arith.cmpi slt, %rem3A, %lt3A : i32
    %lt3A_7 = arith.constant 0 : i32
    %lt3A_8 = arith.cmpi slt, %select_n3A, %lt3A_7 : i32
    %ne3A_9 = arith.xori %lt3A_6, %lt3A_8 : i1
    %and3A = arith.andi %ne3A_9, %ne3A_5 : i1
    %add3A_10 = arith.addi %rem3A, %select_n3A : i32
    %select_n3A_11 = arith.select %and3A, %add3A_10, %rem3A : i32
    %eq3A_12 = arith.constant 0 : i32
    %eq3A_13 = arith.cmpi eq, %select_n3A_11, %eq3A_12 : i32
    %broadcast_in_dim3A = arith.constant 5 : i32
    %broadcast_in_dim3A_14 = vector.broadcast %broadcast_in_dim3A : i32 to vector<16xi32>
    %swap3A = arith.constant 0 : index
    %swap3A_15 = tpu.vector_load %arg5[%swap3A] {strides = array<i32>} : memref<536xi32, #tpu.memory_space<vmem>>, vector<16xi32>,
    tpu.vector_store %arg5[%swap3A], %broadcast_in_dim3A_14 {strides = array<i32>} : memref<536xi32, #tpu.memory_space<vmem>>, vector<16xi32>,
    %broadcast_in_dim3A_16 = arith.constant 0 : i32
    %broadcast_in_dim3A_17 = vector.broadcast %broadcast_in_dim3A_16 : i32 to vector<16xi32>
    %swap3A_18 = arith.constant 520 : index
    %swap3A_19 = tpu.vector_load %arg5[%swap3A_18] {strides = array<i32>} : memref<536xi32, #tpu.memory_space<vmem>>, vector<16xi32>,
    tpu.vector_store %arg5[%swap3A_18], %broadcast_in_dim3A_17 {strides = array<i32>} : memref<536xi32, #tpu.memory_space<vmem>>, vector<16xi32>,
    "tpu.region"() ({
      %run_scoped3A = tpu.sem_alloc : memref<!tpu.dma_semaphore, #tpu.memory_space<semaphore_mem>>
      %dma_start3A_59 = arith.constant 8 : i32
      %dma_start3A_60 = tpu.memref_slice %arg5[%dma_start3A_59] : memref<536xi32, #tpu.memory_space<vmem>> -> memref<512xi32, #tpu.memory_space<vmem>>
      %dma_start3A_61 = tpu.memref_slice %arg2[%mul3A_2] : memref<16384xi32, #tpu.memory_space<hbm>> -> memref<512xi32, #tpu.memory_space<hbm>>
      %dma_start3A_62 = arith.constant 8 : i32
      %dma_start3A_63 = tpu.memref_slice %arg5[%dma_start3A_62] : memref<536xi32, #tpu.memory_space<vmem>> -> memref<512xi32, #tpu.memory_space<vmem>>
      %dma_start3A_64 = tpu.memref_slice %arg2[%mul3A_2] : memref<16384xi32, #tpu.memory_space<hbm>> -> memref<512xi32, #tpu.memory_space<hbm>>
      tpu.enqueue_dma source(%dma_start3A_64 : memref<512xi32, #tpu.memory_space<hbm>>) target(%dma_start3A_63 : memref<512xi32, #tpu.memory_space<vmem>>) target_semaphore(%run_scoped3A : memref<!tpu.dma_semaphore, #tpu.memory_space<semaphore_mem>>)
      %dma_wait3A_65 = arith.constant 8 : i32
      %dma_wait3A_66 = tpu.memref_slice %arg5[%dma_wait3A_65] : memref<536xi32, #tpu.memory_space<vmem>> -> memref<512xi32, #tpu.memory_space<vmem>>
      %dma_wait3A_67 = tpu.memref_slice %arg2[%mul3A_2] : memref<16384xi32, #tpu.memory_space<hbm>> -> memref<512xi32, #tpu.memory_space<hbm>>
      %dma_wait3A_68 = arith.constant 8 : i32
      %dma_wait3A_69 = tpu.memref_slice %arg5[%dma_wait3A_68] : memref<536xi32, #tpu.memory_space<vmem>> -> memref<512xi32, #tpu.memory_space<vmem>>
      %dma_wait3A_70 = tpu.memref_slice %arg2[%mul3A_2] : memref<16384xi32, #tpu.memory_space<hbm>> -> memref<512xi32, #tpu.memory_space<hbm>>
      tpu.wait_dma2 semaphore(%run_scoped3A : memref<!tpu.dma_semaphore, #tpu.memory_space<semaphore_mem>>) src(%dma_wait3A_70 : memref<512xi32, #tpu.memory_space<hbm>>) dst(%dma_wait3A_69 : memref<512xi32, #tpu.memory_space<vmem>>)
      tpu.yield
    }) : () -> ()
    %not3A = arith.constant true
    %not3A_20 = arith.xori %eq3A_13, %not3A : i1
    %convert_element_type3A = arith.extui %not3A_20 : i1 to i32
    %cond3A = arith.constant 0 : i32
    %cond3A_21 = arith.cmpi ne, %convert_element_type3A, %cond3A : i32
    scf.if %cond3A_21 {
      %sub3A = arith.constant 8 : i32
      %sub3A_59 = arith.subi %mul3A_2, %sub3A : i32
      "tpu.region"() ({
        %run_scoped3A = tpu.sem_alloc : memref<!tpu.dma_semaphore, #tpu.memory_space<semaphore_mem>>
        %dma_start3A_60 = arith.constant 0 : i32
        %dma_start3A_61 = tpu.memref_slice %arg5[%dma_start3A_60] : memref<536xi32, #tpu.memory_space<vmem>> -> memref<8xi32, #tpu.memory_space<vmem>>
        %dma_start3A_62 = tpu.memref_slice %arg2[%sub3A_59] : memref<16384xi32, #tpu.memory_space<hbm>> -> memref<8xi32, #tpu.memory_space<hbm>>
        %dma_start3A_63 = arith.constant 0 : i32
        %dma_start3A_64 = tpu.memref_slice %arg5[%dma_start3A_63] : memref<536xi32, #tpu.memory_space<vmem>> -> memref<8xi32, #tpu.memory_space<vmem>>
        %dma_start3A_65 = tpu.memref_slice %arg2[%sub3A_59] : memref<16384xi32, #tpu.memory_space<hbm>> -> memref<8xi32, #tpu.memory_space<hbm>>
        tpu.enqueue_dma source(%dma_start3A_65 : memref<8xi32, #tpu.memory_space<hbm>>) target(%dma_start3A_64 : memref<8xi32, #tpu.memory_space<vmem>>) target_semaphore(%run_scoped3A : memref<!tpu.dma_semaphore, #tpu.memory_space<semaphore_mem>>)
        %dma_wait3A_66 = arith.constant 0 : i32
        %dma_wait3A_67 = tpu.memref_slice %arg5[%dma_wait3A_66] : memref<536xi32, #tpu.memory_space<vmem>> -> memref<8xi32, #tpu.memory_space<vmem>>
        %dma_wait3A_68 = tpu.memref_slice %arg2[%sub3A_59] : memref<16384xi32, #tpu.memory_space<hbm>> -> memref<8xi32, #tpu.memory_space<hbm>>
        %dma_wait3A_69 = arith.constant 0 : i32
        %dma_wait3A_70 = tpu.memref_slice %arg5[%dma_wait3A_69] : memref<536xi32, #tpu.memory_space<vmem>> -> memref<8xi32, #tpu.memory_space<vmem>>
        %dma_wait3A_71 = tpu.memref_slice %arg2[%sub3A_59] : memref<16384xi32, #tpu.memory_space<hbm>> -> memref<8xi32, #tpu.memory_space<hbm>>
        tpu.wait_dma2 semaphore(%run_scoped3A : memref<!tpu.dma_semaphore, #tpu.memory_space<semaphore_mem>>) src(%dma_wait3A_71 : memref<8xi32, #tpu.memory_space<hbm>>) dst(%dma_wait3A_70 : memref<8xi32, #tpu.memory_space<vmem>>)
        tpu.yield
      }) : () -> ()
    } else {
    }
    %dma_start3A = arith.constant 8 : i32
    %dma_start3A_22 = tpu.memref_slice %arg5[%dma_start3A] : memref<536xi32, #tpu.memory_space<vmem>> -> memref<32xi32, #tpu.memory_space<vmem>>
    %dma_start3A_23 = arith.constant 0 : i32
    %dma_start3A_24 = arith.constant 0 : i32
    %dma_start3A_25 = tpu.memref_slice %arg3[%dma_start3A_23, %dma_start3A_24] : memref<100000x768xf32, #tpu.memory_space<hbm>> -> memref<100000x768xf32, #tpu.memory_space<hbm>>
    tpu.enqueue_indirect_dma source(%dma_start3A_25 : memref<100000x768xf32, #tpu.memory_space<hbm>>) target(%arg6 : memref<32x768xf32, #tpu.memory_space<vmem>>) offsets(%dma_start3A_22 : memref<32xi32, #tpu.memory_space<vmem>>) semaphore(%arg11 : memref<!tpu.dma_semaphore, #tpu.memory_space<semaphore_mem>>)
    %dma_start3A_26 = arith.constant 40 : i32
    %dma_start3A_27 = tpu.memref_slice %arg5[%dma_start3A_26] : memref<536xi32, #tpu.memory_space<vmem>> -> memref<32xi32, #tpu.memory_space<vmem>>
    %dma_start3A_28 = arith.constant 0 : i32
    %dma_start3A_29 = arith.constant 0 : i32
    %dma_start3A_30 = tpu.memref_slice %arg3[%dma_start3A_28, %dma_start3A_29] : memref<100000x768xf32, #tpu.memory_space<hbm>> -> memref<100000x768xf32, #tpu.memory_space<hbm>>
    tpu.enqueue_indirect_dma source(%dma_start3A_30 : memref<100000x768xf32, #tpu.memory_space<hbm>>) target(%arg7 : memref<32x768xf32, #tpu.memory_space<vmem>>) offsets(%dma_start3A_27 : memref<32xi32, #tpu.memory_space<vmem>>) semaphore(%arg12 : memref<!tpu.dma_semaphore, #tpu.memory_space<semaphore_mem>>)
    %scan3A = arith.constant 0 : i32
    %scan3A_31 = arith.constant 0 : i32
    %scan3A_32 = arith.constant 4 : i32
    %scan3A_33 = arith.addi %scan3A_31, %scan3A_32 : i32
    %scan3A_34 = arith.constant 1 : i32
    scf.for %scan3A_59 = %scan3A_31 to %scan3A_33 step %scan3A_34  : i32 {
      %mul3A_60 = arith.constant 4 : i32
      %mul3A_61 = arith.muli %scan3A_59, %mul3A_60 : i32
      %add3A_62 = arith.constant 0 : i32
      %add3A_63 = arith.addi %mul3A_61, %add3A_62 : i32
      %add3A_64 = arith.constant 2 : i32
      %add3A_65 = arith.addi %add3A_63, %add3A_64 : i32
      %lt3A_66 = arith.constant 16 : i32
      %lt3A_67 = arith.cmpi slt, %add3A_65, %lt3A_66 : i32
      %convert_element_type3A_68 = arith.extui %lt3A_67 : i1 to i32
      %cond3A_69 = arith.constant 0 : i32
      %cond3A_70 = arith.cmpi ne, %convert_element_type3A_68, %cond3A_69 : i32
      scf.if %cond3A_70 {
        %add3A_300 = arith.constant 2 : i32
        %add3A_301 = arith.addi %add3A_63, %add3A_300 : i32
        %ge3A = arith.constant 4 : i32
        %ge3A_302 = arith.cmpi sge, %add3A_301, %ge3A : i32
        %convert_element_type3A_303 = arith.extui %ge3A_302 : i1 to i32
        %cond3A_304 = arith.constant 0 : i32
        %cond3A_305 = arith.cmpi ne, %convert_element_type3A_303, %cond3A_304 : i32
        scf.if %cond3A_305 {
          %add3A_316 = arith.constant 2 : i32
          %add3A_317 = arith.addi %add3A_63, %add3A_316 : i32
          %sub3A = arith.constant 4 : i32
          %sub3A_318 = arith.subi %add3A_317, %sub3A : i32
          %mul3A_319 = arith.constant 32 : i32
          %mul3A_320 = arith.muli %sub3A_318, %mul3A_319 : i32
          %add3A_321 = arith.addi %mul3A_2, %mul3A_320 : i32
          %dma_wait3A_322 = arith.constant 0 : i32
          %dma_wait3A_323 = tpu.memref_slice %arg4[%add3A_321, %dma_wait3A_322] : memref<16384x768xf32, #tpu.memory_space<hbm>> -> memref<32x768xf32, #tpu.memory_space<hbm>>
          %dma_wait3A_324 = arith.constant 0 : i32
          %dma_wait3A_325 = tpu.memref_slice %arg4[%add3A_321, %dma_wait3A_324] : memref<16384x768xf32, #tpu.memory_space<hbm>> -> memref<32x768xf32, #tpu.memory_space<hbm>>
          tpu.wait_dma2 semaphore(%arg17 : memref<!tpu.dma_semaphore, #tpu.memory_space<semaphore_mem>>) src(%arg8 : memref<32x768xf32, #tpu.memory_space<vmem>>) dst(%dma_wait3A_325 : memref<32x768xf32, #tpu.memory_space<hbm>>)
        } else {
        }
        %add3A_306 = arith.constant 2 : i32
        %add3A_307 = arith.addi %add3A_63, %add3A_306 : i32
        %mul3A_308 = arith.constant 32 : i32
        %mul3A_309 = arith.muli %add3A_307, %mul3A_308 : i32
        %add3A_310 = arith.constant 8 : i32
        %add3A_311 = arith.addi %add3A_310, %mul3A_309 : i32
        %dma_start3A_312 = tpu.memref_slice %arg5[%add3A_311] : memref<536xi32, #tpu.memory_space<vmem>> -> memref<32xi32, #tpu.memory_space<vmem>>
        %dma_start3A_313 = arith.constant 0 : i32
        %dma_start3A_314 = arith.constant 0 : i32
        %dma_start3A_315 = tpu.memref_slice %arg3[%dma_start3A_313, %dma_start3A_314] : memref<100000x768xf32, #tpu.memory_space<hbm>> -> memref<100000x768xf32, #tpu.memory_space<hbm>>
        tpu.enqueue_indirect_dma source(%dma_start3A_315 : memref<100000x768xf32, #tpu.memory_space<hbm>>) target(%arg8 : memref<32x768xf32, #tpu.memory_space<vmem>>) offsets(%dma_start3A_312 : memref<32xi32, #tpu.memory_space<vmem>>) semaphore(%arg13 : memref<!tpu.dma_semaphore, #tpu.memory_space<semaphore_mem>>)
      } else {
      }
      %mul3A_71 = arith.constant 32 : i32
      %mul3A_72 = arith.muli %add3A_63, %mul3A_71 : i32
      %add3A_73 = arith.constant 8 : i32
      %add3A_74 = arith.addi %add3A_73, %mul3A_72 : i32
      %dma_wait3A_75 = tpu.memref_slice %arg5[%add3A_74] : memref<536xi32, #tpu.memory_space<vmem>> -> memref<32xi32, #tpu.memory_space<vmem>>
      %dma_wait3A_76 = arith.constant 0 : i32
      %dma_wait3A_77 = arith.constant 0 : i32
      %dma_wait3A_78 = tpu.memref_slice %arg3[%dma_wait3A_76, %dma_wait3A_77] : memref<100000x768xf32, #tpu.memory_space<hbm>> -> memref<100000x768xf32, #tpu.memory_space<hbm>>
      tpu.wait_indirect_dma semaphore(%arg11 : memref<!tpu.dma_semaphore, #tpu.memory_space<semaphore_mem>>) src(%dma_wait3A_78 : memref<100000x768xf32, #tpu.memory_space<hbm>>) dst(%arg6 : memref<32x768xf32, #tpu.memory_space<vmem>>)
      %mul3A_79 = arith.constant 32 : i32
      %mul3A_80 = arith.muli %add3A_63, %mul3A_79 : i32
      %add3A_81 = arith.constant 4 : i32
      %add3A_82 = arith.addi %mul3A_80, %add3A_81 : i32
      %get3A = arith.index_cast %add3A_82 : i32 to index
      %get3A_83 = tpu.vector_load %arg5[%get3A] {strides = array<i32>} : memref<536xi32, #tpu.memory_space<vmem>>, vector<16xi32>,
      %eq3A_84 = arith.constant 5 : i32
      %eq3A_85 = vector.broadcast %eq3A_84 : i32 to vector<16xi32>
      %eq3A_86 = arith.cmpi eq, %get3A_83, %eq3A_85 : vector<16xi32>
      %add3A_87 = arith.constant 4 : i32
      %add3A_88 = arith.addi %mul3A_80, %add3A_87 : i32
      %add3A_89 = arith.constant 16 : i32
      %add3A_90 = arith.addi %add3A_88, %add3A_89 : i32
      %get3A_91 = arith.index_cast %add3A_90 : i32 to index
      %get3A_92 = tpu.vector_load %arg5[%get3A_91] {strides = array<i32>} : memref<536xi32, #tpu.memory_space<vmem>>, vector<16xi32>,
      %eq3A_93 = arith.constant 5 : i32
      %eq3A_94 = vector.broadcast %eq3A_93 : i32 to vector<16xi32>
      %eq3A_95 = arith.cmpi eq, %get3A_92, %eq3A_94 : vector<16xi32>
      %or3A = arith.ori %eq3A_86, %eq3A_95 : vector<16xi1>
      %add3A_96 = arith.constant 4 : i32
      %add3A_97 = arith.addi %mul3A_80, %add3A_96 : i32
      %add3A_98 = arith.constant 32 : i32
      %add3A_99 = arith.addi %add3A_97, %add3A_98 : i32
      %get3A_100 = arith.index_cast %add3A_99 : i32 to index
      %get3A_101 = tpu.vector_load %arg5[%get3A_100] {strides = array<i32>} : memref<536xi32, #tpu.memory_space<vmem>>, vector<16xi32>,
      %eq3A_102 = arith.constant 5 : i32
      %eq3A_103 = vector.broadcast %eq3A_102 : i32 to vector<16xi32>
      %eq3A_104 = arith.cmpi eq, %get3A_101, %eq3A_103 : vector<16xi32>
      %or3A_105 = arith.ori %or3A, %eq3A_104 : vector<16xi1>
      %all_reduce_population_count3A = tpu.all_reduce %or3A_105 {dim = 0 : i64, kind = #tpu.reduction_kind<sum>} : vector<16xi1> -> vector<16xi32>
      %slice3A = vector.extract_strided_slice %all_reduce_population_count3A {offsets = [0], sizes = [1], strides = [1]} : vector<16xi32> to vector<1xi32>
      %squeeze3A = vector.extract %slice3A[0] : i32 from vector<1xi32>
      %gt3A = arith.constant 0 : i32
      %gt3A_106 = arith.cmpi sgt, %squeeze3A, %gt3A : i32
      %convert_element_type3A_107 = arith.extui %gt3A_106 : i1 to i32
      %cond3A_108 = arith.constant 0 : i32
      %cond3A_109 = arith.cmpi ne, %convert_element_type3A_107, %cond3A_108 : i32
      scf.if %cond3A_109 {
        %scan3A_300 = arith.constant 0 : i32
        %scan3A_301 = arith.constant 0 : i32
        %scan3A_302 = arith.constant 35 : i32
        %scan3A_303 = arith.addi %scan3A_301, %scan3A_302 : i32
        %scan3A_304 = arith.constant 1 : i32
        scf.for %scan3A_306 = %scan3A_301 to %scan3A_303 step %scan3A_304  : i32 {
          %sub3A = arith.constant 4 : i32
          %sub3A_307 = arith.subi %mul3A_80, %sub3A : i32
          %add3A_308 = arith.addi %sub3A_307, %scan3A_306 : i32
          %add3A_309 = arith.constant 8 : i32
          %add3A_310 = arith.addi %add3A_308, %add3A_309 : i32
          %get3A_311 = arith.index_cast %add3A_310 : i32 to index
          %get3A_312 = tpu.vector_load %arg5[%get3A_311] {strides = array<i32>} : memref<536xi32, #tpu.memory_space<vmem>>, vector<16xi32>,
          %slice3A_313 = vector.extract_strided_slice %get3A_312 {offsets = [0], sizes = [1], strides = [1]} : vector<16xi32> to vector<1xi32>
          %squeeze3A_314 = vector.extract %slice3A_313[0] : i32 from vector<1xi32>
          %slice3A_315 = vector.extract_strided_slice %get3A_312 {offsets = [1], sizes = [1], strides = [1]} : vector<16xi32> to vector<1xi32>
          %squeeze3A_316 = vector.extract %slice3A_315[0] : i32 from vector<1xi32>
          %eq3A_317 = arith.constant 5 : i32
          %eq3A_318 = arith.cmpi eq, %squeeze3A_316, %eq3A_317 : i32
          %ne3A_319 = arith.constant 5 : i32
          %ne3A_320 = arith.cmpi ne, %squeeze3A_314, %ne3A_319 : i32
          %and3A_321 = arith.andi %eq3A_318, %ne3A_320 : i1
          %convert_element_type3A_322 = arith.extui %and3A_321 : i1 to i32
          %cond3A_323 = arith.constant 0 : i32
          %cond3A_324 = arith.cmpi ne, %convert_element_type3A_322, %cond3A_323 : i32
          scf.if %cond3A_324 {
            %broadcast_in_dim3A_325 = vector.broadcast %squeeze3A_314 : i32 to vector<16xi32>
            %dma_start3A_326 = arith.constant 0 : i32
            %dma_start3A_327 = arith.constant 0 : i32
            %dma_start3A_328 = tpu.memref_slice %arg3[%dma_start3A_326, %dma_start3A_327] : memref<100000x768xf32, #tpu.memory_space<hbm>> -> memref<100000x768xf32, #tpu.memory_space<hbm>>
            tpu.enqueue_indirect_dma source(%dma_start3A_328 : memref<100000x768xf32, #tpu.memory_space<hbm>>) target(%arg10 : memref<16x768xf32, #tpu.memory_space<vmem>>) offsets(%broadcast_in_dim3A_325 : vector<16xi32>) semaphore(%arg19 : memref<!tpu.dma_semaphore, #tpu.memory_space<semaphore_mem>>)
            %dma_wait3A_329 = arith.constant 0 : i32
            %dma_wait3A_330 = arith.constant 0 : i32
            %dma_wait3A_331 = tpu.memref_slice %arg3[%dma_wait3A_329, %dma_wait3A_330] : memref<100000x768xf32, #tpu.memory_space<hbm>> -> memref<100000x768xf32, #tpu.memory_space<hbm>>
            tpu.wait_indirect_dma semaphore(%arg19 : memref<!tpu.dma_semaphore, #tpu.memory_space<semaphore_mem>>) src(%dma_wait3A_331 : memref<100000x768xf32, #tpu.memory_space<hbm>>) dst(%arg10 : memref<16x768xf32, #tpu.memory_space<vmem>>)
            %sub3A_332 = arith.subi %mul3A_80, %add3A_308 : i32
            %max3A = arith.constant 1 : i32
            %max3A_333 = arith.maxsi %max3A, %sub3A_332 : i32
            %add3A_334 = arith.constant 32 : i32
            %add3A_335 = arith.addi %mul3A_80, %add3A_334 : i32
            %sub3A_336 = arith.constant 1 : i32
            %sub3A_337 = arith.subi %add3A_335, %sub3A_336 : i32
            %sub3A_338 = arith.subi %sub3A_337, %add3A_308 : i32
            %min3A = arith.constant 4 : i32
            %min3A_339 = arith.minsi %min3A, %sub3A_338 : i32
            %add3A_340 = arith.constant 1 : i32
            %add3A_341 = arith.addi %min3A_339, %add3A_340 : i32
            %while3A = arith.constant 0 : i32
            %while3A_342 = arith.subi %add3A_341, %max3A_333 : i32
            %while3A_343 = arith.addi %max3A_333, %while3A_342 : i32
            %while3A_344 = arith.constant 1 : i32
            %while3A_345 = arith.divsi %while3A_342, %while3A_344 : i32
            %while3A_346 = arith.muli %while3A_345, %while3A_344 : i32
            %while3A_347 = arith.addi %max3A_333, %while3A_346 : i32
            %while3A_348 = arith.constant 1 : i32
            scf.for %while3A_350 = %max3A_333 to %while3A_347 step %while3A_348  : i32 {
              %add3A_351 = arith.addi %add3A_308, %while3A_350 : i32
              %sub3A_352 = arith.subi %add3A_351, %mul3A_80 : i32
              %scan3A_353 = arith.constant 0 : i32
              %scan3A_354 = arith.constant 48 : i32
              %scan3A_355 = arith.addi %scan3A_353, %scan3A_354 : i32
              %scan3A_356 = arith.constant 1 : i32
              scf.for %scan3A_358 = %scan3A_353 to %scan3A_355 step %scan3A_356  : i32 {
                %mul3A_359 = arith.constant 16 : i32
                %mul3A_360 = arith.muli %scan3A_358, %mul3A_359 : i32
                %get3A_361 = arith.index_cast %sub3A_352 : i32 to index
                %get3A_362 = arith.index_cast %mul3A_360 : i32 to index
                %get3A_363 = tpu.vector_load %arg6[%get3A_361, %get3A_362] {strides = array<i32>} : memref<32x768xf32, #tpu.memory_space<vmem>>, vector<16xf32>,
                %get3A_364 = arith.constant 0 : i32
                %get3A_365 = arith.index_cast %get3A_364 : i32 to index
                %get3A_366 = arith.index_cast %mul3A_360 : i32 to index
                %get3A_367 = tpu.vector_load %arg10[%get3A_365, %get3A_366] {strides = array<i32>} : memref<16x768xf32, #tpu.memory_space<vmem>>, vector<16xf32>,
                %add3A_368 = arith.addf %get3A_363, %get3A_367 : vector<16xf32>
                %swap3A_369 = arith.index_cast %sub3A_352 : i32 to index
                %swap3A_370 = arith.index_cast %mul3A_360 : i32 to index
                %swap3A_371 = tpu.vector_load %arg6[%swap3A_369, %swap3A_370] {strides = array<i32>} : memref<32x768xf32, #tpu.memory_space<vmem>>, vector<16xf32>,
                tpu.vector_store %arg6[%swap3A_369, %swap3A_370], %add3A_368 {strides = array<i32>} : memref<32x768xf32, #tpu.memory_space<vmem>>, vector<16xf32>,
              }
              %scan3A_357 = arith.constant 48 : i32
            }
            %while3A_349 = arith.constant 1 : i32
            scf.for %while3A_350 = %while3A_347 to %while3A_343 step %while3A_349  : i32 {
              %add3A_351 = arith.addi %add3A_308, %while3A_350 : i32
              %sub3A_352 = arith.subi %add3A_351, %mul3A_80 : i32
              %scan3A_353 = arith.constant 0 : i32
              %scan3A_354 = arith.constant 48 : i32
              %scan3A_355 = arith.addi %scan3A_353, %scan3A_354 : i32
              %scan3A_356 = arith.constant 1 : i32
              scf.for %scan3A_358 = %scan3A_353 to %scan3A_355 step %scan3A_356  : i32 {
                %mul3A_359 = arith.constant 16 : i32
                %mul3A_360 = arith.muli %scan3A_358, %mul3A_359 : i32
                %get3A_361 = arith.index_cast %sub3A_352 : i32 to index
                %get3A_362 = arith.index_cast %mul3A_360 : i32 to index
                %get3A_363 = tpu.vector_load %arg6[%get3A_361, %get3A_362] {strides = array<i32>} : memref<32x768xf32, #tpu.memory_space<vmem>>, vector<16xf32>,
                %get3A_364 = arith.constant 0 : i32
                %get3A_365 = arith.index_cast %get3A_364 : i32 to index
                %get3A_366 = arith.index_cast %mul3A_360 : i32 to index
                %get3A_367 = tpu.vector_load %arg10[%get3A_365, %get3A_366] {strides = array<i32>} : memref<16x768xf32, #tpu.memory_space<vmem>>, vector<16xf32>,
                %add3A_368 = arith.addf %get3A_363, %get3A_367 : vector<16xf32>
                %swap3A_369 = arith.index_cast %sub3A_352 : i32 to index
                %swap3A_370 = arith.index_cast %mul3A_360 : i32 to index
                %swap3A_371 = tpu.vector_load %arg6[%swap3A_369, %swap3A_370] {strides = array<i32>} : memref<32x768xf32, #tpu.memory_space<vmem>>, vector<16xf32>,
                tpu.vector_store %arg6[%swap3A_369, %swap3A_370], %add3A_368 {strides = array<i32>} : memref<32x768xf32, #tpu.memory_space<vmem>>, vector<16xf32>,
              }
              %scan3A_357 = arith.constant 48 : i32
            }
          } else {
          }
        }
        %scan3A_305 = arith.constant 35 : i32
      } else {
      }
      %mul3A_110 = arith.constant 32 : i32
      %mul3A_111 = arith.muli %add3A_63, %mul3A_110 : i32
      %add3A_112 = arith.addi %mul3A_2, %mul3A_111 : i32
      %dma_start3A_113 = arith.constant 0 : i32
      %dma_start3A_114 = tpu.memref_slice %arg4[%add3A_112, %dma_start3A_113] : memref<16384x768xf32, #tpu.memory_space<hbm>> -> memref<32x768xf32, #tpu.memory_space<hbm>>
      %dma_start3A_115 = arith.constant 0 : i32
      %dma_start3A_116 = tpu.memref_slice %arg4[%add3A_112, %dma_start3A_115] : memref<16384x768xf32, #tpu.memory_space<hbm>> -> memref<32x768xf32, #tpu.memory_space<hbm>>
      tpu.enqueue_dma source(%arg6 : memref<32x768xf32, #tpu.memory_space<vmem>>) target(%dma_start3A_116 : memref<32x768xf32, #tpu.memory_space<hbm>>) target_semaphore(%arg15 : memref<!tpu.dma_semaphore, #tpu.memory_space<semaphore_mem>>)
      %add3A_117 = arith.constant 1 : i32
      %add3A_118 = arith.addi %mul3A_61, %add3A_117 : i32
      %add3A_119 = arith.constant 2 : i32
      %add3A_120 = arith.addi %add3A_118, %add3A_119 : i32
      %lt3A_121 = arith.constant 16 : i32
      %lt3A_122 = arith.cmpi slt, %add3A_120, %lt3A_121 : i32
      %convert_element_type3A_123 = arith.extui %lt3A_122 : i1 to i32
      %cond3A_124 = arith.constant 0 : i32
      %cond3A_125 = arith.cmpi ne, %convert_element_type3A_123, %cond3A_124 : i32
      scf.if %cond3A_125 {
        %add3A_300 = arith.constant 2 : i32
        %add3A_301 = arith.addi %add3A_118, %add3A_300 : i32
        %ge3A = arith.constant 4 : i32
        %ge3A_302 = arith.cmpi sge, %add3A_301, %ge3A : i32
        %convert_element_type3A_303 = arith.extui %ge3A_302 : i1 to i32
        %cond3A_304 = arith.constant 0 : i32
        %cond3A_305 = arith.cmpi ne, %convert_element_type3A_303, %cond3A_304 : i32
        scf.if %cond3A_305 {
          %add3A_316 = arith.constant 2 : i32
          %add3A_317 = arith.addi %add3A_118, %add3A_316 : i32
          %sub3A = arith.constant 4 : i32
          %sub3A_318 = arith.subi %add3A_317, %sub3A : i32
          %mul3A_319 = arith.constant 32 : i32
          %mul3A_320 = arith.muli %sub3A_318, %mul3A_319 : i32
          %add3A_321 = arith.addi %mul3A_2, %mul3A_320 : i32
          %dma_wait3A_322 = arith.constant 0 : i32
          %dma_wait3A_323 = tpu.memref_slice %arg4[%add3A_321, %dma_wait3A_322] : memref<16384x768xf32, #tpu.memory_space<hbm>> -> memref<32x768xf32, #tpu.memory_space<hbm>>
          %dma_wait3A_324 = arith.constant 0 : i32
          %dma_wait3A_325 = tpu.memref_slice %arg4[%add3A_321, %dma_wait3A_324] : memref<16384x768xf32, #tpu.memory_space<hbm>> -> memref<32x768xf32, #tpu.memory_space<hbm>>
          tpu.wait_dma2 semaphore(%arg18 : memref<!tpu.dma_semaphore, #tpu.memory_space<semaphore_mem>>) src(%arg9 : memref<32x768xf32, #tpu.memory_space<vmem>>) dst(%dma_wait3A_325 : memref<32x768xf32, #tpu.memory_space<hbm>>)
        } else {
        }
        %add3A_306 = arith.constant 2 : i32
        %add3A_307 = arith.addi %add3A_118, %add3A_306 : i32
        %mul3A_308 = arith.constant 32 : i32
        %mul3A_309 = arith.muli %add3A_307, %mul3A_308 : i32
        %add3A_310 = arith.constant 8 : i32
        %add3A_311 = arith.addi %add3A_310, %mul3A_309 : i32
        %dma_start3A_312 = tpu.memref_slice %arg5[%add3A_311] : memref<536xi32, #tpu.memory_space<vmem>> -> memref<32xi32, #tpu.memory_space<vmem>>
        %dma_start3A_313 = arith.constant 0 : i32
        %dma_start3A_314 = arith.constant 0 : i32
        %dma_start3A_315 = tpu.memref_slice %arg3[%dma_start3A_313, %dma_start3A_314] : memref<100000x768xf32, #tpu.memory_space<hbm>> -> memref<100000x768xf32, #tpu.memory_space<hbm>>
        tpu.enqueue_indirect_dma source(%dma_start3A_315 : memref<100000x768xf32, #tpu.memory_space<hbm>>) target(%arg9 : memref<32x768xf32, #tpu.memory_space<vmem>>) offsets(%dma_start3A_312 : memref<32xi32, #tpu.memory_space<vmem>>) semaphore(%arg14 : memref<!tpu.dma_semaphore, #tpu.memory_space<semaphore_mem>>)
      } else {
      }
      %mul3A_126 = arith.constant 32 : i32
      %mul3A_127 = arith.muli %add3A_118, %mul3A_126 : i32
      %add3A_128 = arith.constant 8 : i32
      %add3A_129 = arith.addi %add3A_128, %mul3A_127 : i32
      %dma_wait3A_130 = tpu.memref_slice %arg5[%add3A_129] : memref<536xi32, #tpu.memory_space<vmem>> -> memref<32xi32, #tpu.memory_space<vmem>>
      %dma_wait3A_131 = arith.constant 0 : i32
      %dma_wait3A_132 = arith.constant 0 : i32
      %dma_wait3A_133 = tpu.memref_slice %arg3[%dma_wait3A_131, %dma_wait3A_132] : memref<100000x768xf32, #tpu.memory_space<hbm>> -> memref<100000x768xf32, #tpu.memory_space<hbm>>
      tpu.wait_indirect_dma semaphore(%arg12 : memref<!tpu.dma_semaphore, #tpu.memory_space<semaphore_mem>>) src(%dma_wait3A_133 : memref<100000x768xf32, #tpu.memory_space<hbm>>) dst(%arg7 : memref<32x768xf32, #tpu.memory_space<vmem>>)
      %mul3A_134 = arith.constant 32 : i32
      %mul3A_135 = arith.muli %add3A_118, %mul3A_134 : i32
      %add3A_136 = arith.constant 4 : i32
      %add3A_137 = arith.addi %mul3A_135, %add3A_136 : i32
      %get3A_138 = arith.index_cast %add3A_137 : i32 to index
      %get3A_139 = tpu.vector_load %arg5[%get3A_138] {strides = array<i32>} : memref<536xi32, #tpu.memory_space<vmem>>, vector<16xi32>,
      %eq3A_140 = arith.constant 5 : i32
      %eq3A_141 = vector.broadcast %eq3A_140 : i32 to vector<16xi32>
      %eq3A_142 = arith.cmpi eq, %get3A_139, %eq3A_141 : vector<16xi32>
      %add3A_143 = arith.constant 4 : i32
      %add3A_144 = arith.addi %mul3A_135, %add3A_143 : i32
      %add3A_145 = arith.constant 16 : i32
      %add3A_146 = arith.addi %add3A_144, %add3A_145 : i32
      %get3A_147 = arith.index_cast %add3A_146 : i32 to index
      %get3A_148 = tpu.vector_load %arg5[%get3A_147] {strides = array<i32>} : memref<536xi32, #tpu.memory_space<vmem>>, vector<16xi32>,
      %eq3A_149 = arith.constant 5 : i32
      %eq3A_150 = vector.broadcast %eq3A_149 : i32 to vector<16xi32>
      %eq3A_151 = arith.cmpi eq, %get3A_148, %eq3A_150 : vector<16xi32>
      %or3A_152 = arith.ori %eq3A_142, %eq3A_151 : vector<16xi1>
      %add3A_153 = arith.constant 4 : i32
      %add3A_154 = arith.addi %mul3A_135, %add3A_153 : i32
      %add3A_155 = arith.constant 32 : i32
      %add3A_156 = arith.addi %add3A_154, %add3A_155 : i32
      %get3A_157 = arith.index_cast %add3A_156 : i32 to index
      %get3A_158 = tpu.vector_load %arg5[%get3A_157] {strides = array<i32>} : memref<536xi32, #tpu.memory_space<vmem>>, vector<16xi32>,
      %eq3A_159 = arith.constant 5 : i32
      %eq3A_160 = vector.broadcast %eq3A_159 : i32 to vector<16xi32>
      %eq3A_161 = arith.cmpi eq, %get3A_158, %eq3A_160 : vector<16xi32>
      %or3A_162 = arith.ori %or3A_152, %eq3A_161 : vector<16xi1>
      %all_reduce_population_count3A_163 = tpu.all_reduce %or3A_162 {dim = 0 : i64, kind = #tpu.reduction_kind<sum>} : vector<16xi1> -> vector<16xi32>
      %slice3A_164 = vector.extract_strided_slice %all_reduce_population_count3A_163 {offsets = [0], sizes = [1], strides = [1]} : vector<16xi32> to vector<1xi32>
      %squeeze3A_165 = vector.extract %slice3A_164[0] : i32 from vector<1xi32>
      %gt3A_166 = arith.constant 0 : i32
      %gt3A_167 = arith.cmpi sgt, %squeeze3A_165, %gt3A_166 : i32
      %convert_element_type3A_168 = arith.extui %gt3A_167 : i1 to i32
      %cond3A_169 = arith.constant 0 : i32
      %cond3A_170 = arith.cmpi ne, %convert_element_type3A_168, %cond3A_169 : i32
      scf.if %cond3A_170 {
        %scan3A_300 = arith.constant 0 : i32
        %scan3A_301 = arith.constant 0 : i32
        %scan3A_302 = arith.constant 35 : i32
        %scan3A_303 = arith.addi %scan3A_301, %scan3A_302 : i32
        %scan3A_304 = arith.constant 1 : i32
        scf.for %scan3A_306 = %scan3A_301 to %scan3A_303 step %scan3A_304  : i32 {
          %sub3A = arith.constant 4 : i32
          %sub3A_307 = arith.subi %mul3A_135, %sub3A : i32
          %add3A_308 = arith.addi %sub3A_307, %scan3A_306 : i32
          %add3A_309 = arith.constant 8 : i32
          %add3A_310 = arith.addi %add3A_308, %add3A_309 : i32
          %get3A_311 = arith.index_cast %add3A_310 : i32 to index
          %get3A_312 = tpu.vector_load %arg5[%get3A_311] {strides = array<i32>} : memref<536xi32, #tpu.memory_space<vmem>>, vector<16xi32>,
          %slice3A_313 = vector.extract_strided_slice %get3A_312 {offsets = [0], sizes = [1], strides = [1]} : vector<16xi32> to vector<1xi32>
          %squeeze3A_314 = vector.extract %slice3A_313[0] : i32 from vector<1xi32>
          %slice3A_315 = vector.extract_strided_slice %get3A_312 {offsets = [1], sizes = [1], strides = [1]} : vector<16xi32> to vector<1xi32>
          %squeeze3A_316 = vector.extract %slice3A_315[0] : i32 from vector<1xi32>
          %eq3A_317 = arith.constant 5 : i32
          %eq3A_318 = arith.cmpi eq, %squeeze3A_316, %eq3A_317 : i32
          %ne3A_319 = arith.constant 5 : i32
          %ne3A_320 = arith.cmpi ne, %squeeze3A_314, %ne3A_319 : i32
          %and3A_321 = arith.andi %eq3A_318, %ne3A_320 : i1
          %convert_element_type3A_322 = arith.extui %and3A_321 : i1 to i32
          %cond3A_323 = arith.constant 0 : i32
          %cond3A_324 = arith.cmpi ne, %convert_element_type3A_322, %cond3A_323 : i32
          scf.if %cond3A_324 {
            %broadcast_in_dim3A_325 = vector.broadcast %squeeze3A_314 : i32 to vector<16xi32>
            %dma_start3A_326 = arith.constant 0 : i32
            %dma_start3A_327 = arith.constant 0 : i32
            %dma_start3A_328 = tpu.memref_slice %arg3[%dma_start3A_326, %dma_start3A_327] : memref<100000x768xf32, #tpu.memory_space<hbm>> -> memref<100000x768xf32, #tpu.memory_space<hbm>>
            tpu.enqueue_indirect_dma source(%dma_start3A_328 : memref<100000x768xf32, #tpu.memory_space<hbm>>) target(%arg10 : memref<16x768xf32, #tpu.memory_space<vmem>>) offsets(%broadcast_in_dim3A_325 : vector<16xi32>) semaphore(%arg19 : memref<!tpu.dma_semaphore, #tpu.memory_space<semaphore_mem>>)
            %dma_wait3A_329 = arith.constant 0 : i32
            %dma_wait3A_330 = arith.constant 0 : i32
            %dma_wait3A_331 = tpu.memref_slice %arg3[%dma_wait3A_329, %dma_wait3A_330] : memref<100000x768xf32, #tpu.memory_space<hbm>> -> memref<100000x768xf32, #tpu.memory_space<hbm>>
            tpu.wait_indirect_dma semaphore(%arg19 : memref<!tpu.dma_semaphore, #tpu.memory_space<semaphore_mem>>) src(%dma_wait3A_331 : memref<100000x768xf32, #tpu.memory_space<hbm>>) dst(%arg10 : memref<16x768xf32, #tpu.memory_space<vmem>>)
            %sub3A_332 = arith.subi %mul3A_135, %add3A_308 : i32
            %max3A = arith.constant 1 : i32
            %max3A_333 = arith.maxsi %max3A, %sub3A_332 : i32
            %add3A_334 = arith.constant 32 : i32
            %add3A_335 = arith.addi %mul3A_135, %add3A_334 : i32
            %sub3A_336 = arith.constant 1 : i32
            %sub3A_337 = arith.subi %add3A_335, %sub3A_336 : i32
            %sub3A_338 = arith.subi %sub3A_337, %add3A_308 : i32
            %min3A = arith.constant 4 : i32
            %min3A_339 = arith.minsi %min3A, %sub3A_338 : i32
            %add3A_340 = arith.constant 1 : i32
            %add3A_341 = arith.addi %min3A_339, %add3A_340 : i32
            %while3A = arith.constant 0 : i32
            %while3A_342 = arith.subi %add3A_341, %max3A_333 : i32
            %while3A_343 = arith.addi %max3A_333, %while3A_342 : i32
            %while3A_344 = arith.constant 1 : i32
            %while3A_345 = arith.divsi %while3A_342, %while3A_344 : i32
            %while3A_346 = arith.muli %while3A_345, %while3A_344 : i32
            %while3A_347 = arith.addi %max3A_333, %while3A_346 : i32
            %while3A_348 = arith.constant 1 : i32
            scf.for %while3A_350 = %max3A_333 to %while3A_347 step %while3A_348  : i32 {
              %add3A_351 = arith.addi %add3A_308, %while3A_350 : i32
              %sub3A_352 = arith.subi %add3A_351, %mul3A_135 : i32
              %scan3A_353 = arith.constant 0 : i32
              %scan3A_354 = arith.constant 48 : i32
              %scan3A_355 = arith.addi %scan3A_353, %scan3A_354 : i32
              %scan3A_356 = arith.constant 1 : i32
              scf.for %scan3A_358 = %scan3A_353 to %scan3A_355 step %scan3A_356  : i32 {
                %mul3A_359 = arith.constant 16 : i32
                %mul3A_360 = arith.muli %scan3A_358, %mul3A_359 : i32
                %get3A_361 = arith.index_cast %sub3A_352 : i32 to index
                %get3A_362 = arith.index_cast %mul3A_360 : i32 to index
                %get3A_363 = tpu.vector_load %arg7[%get3A_361, %get3A_362] {strides = array<i32>} : memref<32x768xf32, #tpu.memory_space<vmem>>, vector<16xf32>,
                %get3A_364 = arith.constant 0 : i32
                %get3A_365 = arith.index_cast %get3A_364 : i32 to index
                %get3A_366 = arith.index_cast %mul3A_360 : i32 to index
                %get3A_367 = tpu.vector_load %arg10[%get3A_365, %get3A_366] {strides = array<i32>} : memref<16x768xf32, #tpu.memory_space<vmem>>, vector<16xf32>,
                %add3A_368 = arith.addf %get3A_363, %get3A_367 : vector<16xf32>
                %swap3A_369 = arith.index_cast %sub3A_352 : i32 to index
                %swap3A_370 = arith.index_cast %mul3A_360 : i32 to index
                %swap3A_371 = tpu.vector_load %arg7[%swap3A_369, %swap3A_370] {strides = array<i32>} : memref<32x768xf32, #tpu.memory_space<vmem>>, vector<16xf32>,
                tpu.vector_store %arg7[%swap3A_369, %swap3A_370], %add3A_368 {strides = array<i32>} : memref<32x768xf32, #tpu.memory_space<vmem>>, vector<16xf32>,
              }
              %scan3A_357 = arith.constant 48 : i32
            }
            %while3A_349 = arith.constant 1 : i32
            scf.for %while3A_350 = %while3A_347 to %while3A_343 step %while3A_349  : i32 {
              %add3A_351 = arith.addi %add3A_308, %while3A_350 : i32
              %sub3A_352 = arith.subi %add3A_351, %mul3A_135 : i32
              %scan3A_353 = arith.constant 0 : i32
              %scan3A_354 = arith.constant 48 : i32
              %scan3A_355 = arith.addi %scan3A_353, %scan3A_354 : i32
              %scan3A_356 = arith.constant 1 : i32
              scf.for %scan3A_358 = %scan3A_353 to %scan3A_355 step %scan3A_356  : i32 {
                %mul3A_359 = arith.constant 16 : i32
                %mul3A_360 = arith.muli %scan3A_358, %mul3A_359 : i32
                %get3A_361 = arith.index_cast %sub3A_352 : i32 to index
                %get3A_362 = arith.index_cast %mul3A_360 : i32 to index
                %get3A_363 = tpu.vector_load %arg7[%get3A_361, %get3A_362] {strides = array<i32>} : memref<32x768xf32, #tpu.memory_space<vmem>>, vector<16xf32>,
                %get3A_364 = arith.constant 0 : i32
                %get3A_365 = arith.index_cast %get3A_364 : i32 to index
                %get3A_366 = arith.index_cast %mul3A_360 : i32 to index
                %get3A_367 = tpu.vector_load %arg10[%get3A_365, %get3A_366] {strides = array<i32>} : memref<16x768xf32, #tpu.memory_space<vmem>>, vector<16xf32>,
                %add3A_368 = arith.addf %get3A_363, %get3A_367 : vector<16xf32>
                %swap3A_369 = arith.index_cast %sub3A_352 : i32 to index
                %swap3A_370 = arith.index_cast %mul3A_360 : i32 to index
                %swap3A_371 = tpu.vector_load %arg7[%swap3A_369, %swap3A_370] {strides = array<i32>} : memref<32x768xf32, #tpu.memory_space<vmem>>, vector<16xf32>,
                tpu.vector_store %arg7[%swap3A_369, %swap3A_370], %add3A_368 {strides = array<i32>} : memref<32x768xf32, #tpu.memory_space<vmem>>, vector<16xf32>,
              }
              %scan3A_357 = arith.constant 48 : i32
            }
          } else {
          }
        }
        %scan3A_305 = arith.constant 35 : i32
      } else {
      }
      %mul3A_171 = arith.constant 32 : i32
      %mul3A_172 = arith.muli %add3A_118, %mul3A_171 : i32
      %add3A_173 = arith.addi %mul3A_2, %mul3A_172 : i32
      %dma_start3A_174 = arith.constant 0 : i32
      %dma_start3A_175 = tpu.memref_slice %arg4[%add3A_173, %dma_start3A_174] : memref<16384x768xf32, #tpu.memory_space<hbm>> -> memref<32x768xf32, #tpu.memory_space<hbm>>
      %dma_start3A_176 = arith.constant 0 : i32
      %dma_start3A_177 = tpu.memref_slice %arg4[%add3A_173, %dma_start3A_176] : memref<16384x768xf32, #tpu.memory_space<hbm>> -> memref<32x768xf32, #tpu.memory_space<hbm>>
      tpu.enqueue_dma source(%arg7 : memref<32x768xf32, #tpu.memory_space<vmem>>) target(%dma_start3A_177 : memref<32x768xf32, #tpu.memory_space<hbm>>) target_semaphore(%arg16 : memref<!tpu.dma_semaphore, #tpu.memory_space<semaphore_mem>>)
      %add3A_178 = arith.constant 2 : i32
      %add3A_179 = arith.addi %mul3A_61, %add3A_178 : i32
      %add3A_180 = arith.constant 2 : i32
      %add3A_181 = arith.addi %add3A_179, %add3A_180 : i32
      %lt3A_182 = arith.constant 16 : i32
      %lt3A_183 = arith.cmpi slt, %add3A_181, %lt3A_182 : i32
      %convert_element_type3A_184 = arith.extui %lt3A_183 : i1 to i32
      %cond3A_185 = arith.constant 0 : i32
      %cond3A_186 = arith.cmpi ne, %convert_element_type3A_184, %cond3A_185 : i32
      scf.if %cond3A_186 {
        %add3A_300 = arith.constant 2 : i32
        %add3A_301 = arith.addi %add3A_179, %add3A_300 : i32
        %ge3A = arith.constant 4 : i32
        %ge3A_302 = arith.cmpi sge, %add3A_301, %ge3A : i32
        %convert_element_type3A_303 = arith.extui %ge3A_302 : i1 to i32
        %cond3A_304 = arith.constant 0 : i32
        %cond3A_305 = arith.cmpi ne, %convert_element_type3A_303, %cond3A_304 : i32
        scf.if %cond3A_305 {
          %add3A_316 = arith.constant 2 : i32
          %add3A_317 = arith.addi %add3A_179, %add3A_316 : i32
          %sub3A = arith.constant 4 : i32
          %sub3A_318 = arith.subi %add3A_317, %sub3A : i32
          %mul3A_319 = arith.constant 32 : i32
          %mul3A_320 = arith.muli %sub3A_318, %mul3A_319 : i32
          %add3A_321 = arith.addi %mul3A_2, %mul3A_320 : i32
          %dma_wait3A_322 = arith.constant 0 : i32
          %dma_wait3A_323 = tpu.memref_slice %arg4[%add3A_321, %dma_wait3A_322] : memref<16384x768xf32, #tpu.memory_space<hbm>> -> memref<32x768xf32, #tpu.memory_space<hbm>>
          %dma_wait3A_324 = arith.constant 0 : i32
          %dma_wait3A_325 = tpu.memref_slice %arg4[%add3A_321, %dma_wait3A_324] : memref<16384x768xf32, #tpu.memory_space<hbm>> -> memref<32x768xf32, #tpu.memory_space<hbm>>
          tpu.wait_dma2 semaphore(%arg15 : memref<!tpu.dma_semaphore, #tpu.memory_space<semaphore_mem>>) src(%arg6 : memref<32x768xf32, #tpu.memory_space<vmem>>) dst(%dma_wait3A_325 : memref<32x768xf32, #tpu.memory_space<hbm>>)
        } else {
        }
        %add3A_306 = arith.constant 2 : i32
        %add3A_307 = arith.addi %add3A_179, %add3A_306 : i32
        %mul3A_308 = arith.constant 32 : i32
        %mul3A_309 = arith.muli %add3A_307, %mul3A_308 : i32
        %add3A_310 = arith.constant 8 : i32
        %add3A_311 = arith.addi %add3A_310, %mul3A_309 : i32
        %dma_start3A_312 = tpu.memref_slice %arg5[%add3A_311] : memref<536xi32, #tpu.memory_space<vmem>> -> memref<32xi32, #tpu.memory_space<vmem>>
        %dma_start3A_313 = arith.constant 0 : i32
        %dma_start3A_314 = arith.constant 0 : i32
        %dma_start3A_315 = tpu.memref_slice %arg3[%dma_start3A_313, %dma_start3A_314] : memref<100000x768xf32, #tpu.memory_space<hbm>> -> memref<100000x768xf32, #tpu.memory_space<hbm>>
        tpu.enqueue_indirect_dma source(%dma_start3A_315 : memref<100000x768xf32, #tpu.memory_space<hbm>>) target(%arg6 : memref<32x768xf32, #tpu.memory_space<vmem>>) offsets(%dma_start3A_312 : memref<32xi32, #tpu.memory_space<vmem>>) semaphore(%arg11 : memref<!tpu.dma_semaphore, #tpu.memory_space<semaphore_mem>>)
      } else {
      }
      %mul3A_187 = arith.constant 32 : i32
      %mul3A_188 = arith.muli %add3A_179, %mul3A_187 : i32
      %add3A_189 = arith.constant 8 : i32
      %add3A_190 = arith.addi %add3A_189, %mul3A_188 : i32
      %dma_wait3A_191 = tpu.memref_slice %arg5[%add3A_190] : memref<536xi32, #tpu.memory_space<vmem>> -> memref<32xi32, #tpu.memory_space<vmem>>
      %dma_wait3A_192 = arith.constant 0 : i32
      %dma_wait3A_193 = arith.constant 0 : i32
      %dma_wait3A_194 = tpu.memref_slice %arg3[%dma_wait3A_192, %dma_wait3A_193] : memref<100000x768xf32, #tpu.memory_space<hbm>> -> memref<100000x768xf32, #tpu.memory_space<hbm>>
      tpu.wait_indirect_dma semaphore(%arg13 : memref<!tpu.dma_semaphore, #tpu.memory_space<semaphore_mem>>) src(%dma_wait3A_194 : memref<100000x768xf32, #tpu.memory_space<hbm>>) dst(%arg8 : memref<32x768xf32, #tpu.memory_space<vmem>>)
      %mul3A_195 = arith.constant 32 : i32
      %mul3A_196 = arith.muli %add3A_179, %mul3A_195 : i32
      %add3A_197 = arith.constant 4 : i32
      %add3A_198 = arith.addi %mul3A_196, %add3A_197 : i32
      %get3A_199 = arith.index_cast %add3A_198 : i32 to index
      %get3A_200 = tpu.vector_load %arg5[%get3A_199] {strides = array<i32>} : memref<536xi32, #tpu.memory_space<vmem>>, vector<16xi32>,
      %eq3A_201 = arith.constant 5 : i32
      %eq3A_202 = vector.broadcast %eq3A_201 : i32 to vector<16xi32>
      %eq3A_203 = arith.cmpi eq, %get3A_200, %eq3A_202 : vector<16xi32>
      %add3A_204 = arith.constant 4 : i32
      %add3A_205 = arith.addi %mul3A_196, %add3A_204 : i32
      %add3A_206 = arith.constant 16 : i32
      %add3A_207 = arith.addi %add3A_205, %add3A_206 : i32
      %get3A_208 = arith.index_cast %add3A_207 : i32 to index
      %get3A_209 = tpu.vector_load %arg5[%get3A_208] {strides = array<i32>} : memref<536xi32, #tpu.memory_space<vmem>>, vector<16xi32>,
      %eq3A_210 = arith.constant 5 : i32
      %eq3A_211 = vector.broadcast %eq3A_210 : i32 to vector<16xi32>
      %eq3A_212 = arith.cmpi eq, %get3A_209, %eq3A_211 : vector<16xi32>
      %or3A_213 = arith.ori %eq3A_203, %eq3A_212 : vector<16xi1>
      %add3A_214 = arith.constant 4 : i32
      %add3A_215 = arith.addi %mul3A_196, %add3A_214 : i32
      %add3A_216 = arith.constant 32 : i32
      %add3A_217 = arith.addi %add3A_215, %add3A_216 : i32
      %get3A_218 = arith.index_cast %add3A_217 : i32 to index
      %get3A_219 = tpu.vector_load %arg5[%get3A_218] {strides = array<i32>} : memref<536xi32, #tpu.memory_space<vmem>>, vector<16xi32>,
      %eq3A_220 = arith.constant 5 : i32
      %eq3A_221 = vector.broadcast %eq3A_220 : i32 to vector<16xi32>
      %eq3A_222 = arith.cmpi eq, %get3A_219, %eq3A_221 : vector<16xi32>
      %or3A_223 = arith.ori %or3A_213, %eq3A_222 : vector<16xi1>
      %all_reduce_population_count3A_224 = tpu.all_reduce %or3A_223 {dim = 0 : i64, kind = #tpu.reduction_kind<sum>} : vector<16xi1> -> vector<16xi32>
      %slice3A_225 = vector.extract_strided_slice %all_reduce_population_count3A_224 {offsets = [0], sizes = [1], strides = [1]} : vector<16xi32> to vector<1xi32>
      %squeeze3A_226 = vector.extract %slice3A_225[0] : i32 from vector<1xi32>
      %gt3A_227 = arith.constant 0 : i32
      %gt3A_228 = arith.cmpi sgt, %squeeze3A_226, %gt3A_227 : i32
      %convert_element_type3A_229 = arith.extui %gt3A_228 : i1 to i32
      %cond3A_230 = arith.constant 0 : i32
      %cond3A_231 = arith.cmpi ne, %convert_element_type3A_229, %cond3A_230 : i32
      scf.if %cond3A_231 {
        %scan3A_300 = arith.constant 0 : i32
        %scan3A_301 = arith.constant 0 : i32
        %scan3A_302 = arith.constant 35 : i32
        %scan3A_303 = arith.addi %scan3A_301, %scan3A_302 : i32
        %scan3A_304 = arith.constant 1 : i32
        scf.for %scan3A_306 = %scan3A_301 to %scan3A_303 step %scan3A_304  : i32 {
          %sub3A = arith.constant 4 : i32
          %sub3A_307 = arith.subi %mul3A_196, %sub3A : i32
          %add3A_308 = arith.addi %sub3A_307, %scan3A_306 : i32
          %add3A_309 = arith.constant 8 : i32
          %add3A_310 = arith.addi %add3A_308, %add3A_309 : i32
          %get3A_311 = arith.index_cast %add3A_310 : i32 to index
          %get3A_312 = tpu.vector_load %arg5[%get3A_311] {strides = array<i32>} : memref<536xi32, #tpu.memory_space<vmem>>, vector<16xi32>,
          %slice3A_313 = vector.extract_strided_slice %get3A_312 {offsets = [0], sizes = [1], strides = [1]} : vector<16xi32> to vector<1xi32>
          %squeeze3A_314 = vector.extract %slice3A_313[0] : i32 from vector<1xi32>
          %slice3A_315 = vector.extract_strided_slice %get3A_312 {offsets = [1], sizes = [1], strides = [1]} : vector<16xi32> to vector<1xi32>
          %squeeze3A_316 = vector.extract %slice3A_315[0] : i32 from vector<1xi32>
          %eq3A_317 = arith.constant 5 : i32
          %eq3A_318 = arith.cmpi eq, %squeeze3A_316, %eq3A_317 : i32
          %ne3A_319 = arith.constant 5 : i32
          %ne3A_320 = arith.cmpi ne, %squeeze3A_314, %ne3A_319 : i32
          %and3A_321 = arith.andi %eq3A_318, %ne3A_320 : i1
          %convert_element_type3A_322 = arith.extui %and3A_321 : i1 to i32
          %cond3A_323 = arith.constant 0 : i32
          %cond3A_324 = arith.cmpi ne, %convert_element_type3A_322, %cond3A_323 : i32
          scf.if %cond3A_324 {
            %broadcast_in_dim3A_325 = vector.broadcast %squeeze3A_314 : i32 to vector<16xi32>
            %dma_start3A_326 = arith.constant 0 : i32
            %dma_start3A_327 = arith.constant 0 : i32
            %dma_start3A_328 = tpu.memref_slice %arg3[%dma_start3A_326, %dma_start3A_327] : memref<100000x768xf32, #tpu.memory_space<hbm>> -> memref<100000x768xf32, #tpu.memory_space<hbm>>
            tpu.enqueue_indirect_dma source(%dma_start3A_328 : memref<100000x768xf32, #tpu.memory_space<hbm>>) target(%arg10 : memref<16x768xf32, #tpu.memory_space<vmem>>) offsets(%broadcast_in_dim3A_325 : vector<16xi32>) semaphore(%arg19 : memref<!tpu.dma_semaphore, #tpu.memory_space<semaphore_mem>>)
            %dma_wait3A_329 = arith.constant 0 : i32
            %dma_wait3A_330 = arith.constant 0 : i32
            %dma_wait3A_331 = tpu.memref_slice %arg3[%dma_wait3A_329, %dma_wait3A_330] : memref<100000x768xf32, #tpu.memory_space<hbm>> -> memref<100000x768xf32, #tpu.memory_space<hbm>>
            tpu.wait_indirect_dma semaphore(%arg19 : memref<!tpu.dma_semaphore, #tpu.memory_space<semaphore_mem>>) src(%dma_wait3A_331 : memref<100000x768xf32, #tpu.memory_space<hbm>>) dst(%arg10 : memref<16x768xf32, #tpu.memory_space<vmem>>)
            %sub3A_332 = arith.subi %mul3A_196, %add3A_308 : i32
            %max3A = arith.constant 1 : i32
            %max3A_333 = arith.maxsi %max3A, %sub3A_332 : i32
            %add3A_334 = arith.constant 32 : i32
            %add3A_335 = arith.addi %mul3A_196, %add3A_334 : i32
            %sub3A_336 = arith.constant 1 : i32
            %sub3A_337 = arith.subi %add3A_335, %sub3A_336 : i32
            %sub3A_338 = arith.subi %sub3A_337, %add3A_308 : i32
            %min3A = arith.constant 4 : i32
            %min3A_339 = arith.minsi %min3A, %sub3A_338 : i32
            %add3A_340 = arith.constant 1 : i32
            %add3A_341 = arith.addi %min3A_339, %add3A_340 : i32
            %while3A = arith.constant 0 : i32
            %while3A_342 = arith.subi %add3A_341, %max3A_333 : i32
            %while3A_343 = arith.addi %max3A_333, %while3A_342 : i32
            %while3A_344 = arith.constant 1 : i32
            %while3A_345 = arith.divsi %while3A_342, %while3A_344 : i32
            %while3A_346 = arith.muli %while3A_345, %while3A_344 : i32
            %while3A_347 = arith.addi %max3A_333, %while3A_346 : i32
            %while3A_348 = arith.constant 1 : i32
            scf.for %while3A_350 = %max3A_333 to %while3A_347 step %while3A_348  : i32 {
              %add3A_351 = arith.addi %add3A_308, %while3A_350 : i32
              %sub3A_352 = arith.subi %add3A_351, %mul3A_196 : i32
              %scan3A_353 = arith.constant 0 : i32
              %scan3A_354 = arith.constant 48 : i32
              %scan3A_355 = arith.addi %scan3A_353, %scan3A_354 : i32
              %scan3A_356 = arith.constant 1 : i32
              scf.for %scan3A_358 = %scan3A_353 to %scan3A_355 step %scan3A_356  : i32 {
                %mul3A_359 = arith.constant 16 : i32
                %mul3A_360 = arith.muli %scan3A_358, %mul3A_359 : i32
                %get3A_361 = arith.index_cast %sub3A_352 : i32 to index
                %get3A_362 = arith.index_cast %mul3A_360 : i32 to index
                %get3A_363 = tpu.vector_load %arg8[%get3A_361, %get3A_362] {strides = array<i32>} : memref<32x768xf32, #tpu.memory_space<vmem>>, vector<16xf32>,
                %get3A_364 = arith.constant 0 : i32
                %get3A_365 = arith.index_cast %get3A_364 : i32 to index
                %get3A_366 = arith.index_cast %mul3A_360 : i32 to index
                %get3A_367 = tpu.vector_load %arg10[%get3A_365, %get3A_366] {strides = array<i32>} : memref<16x768xf32, #tpu.memory_space<vmem>>, vector<16xf32>,
                %add3A_368 = arith.addf %get3A_363, %get3A_367 : vector<16xf32>
                %swap3A_369 = arith.index_cast %sub3A_352 : i32 to index
                %swap3A_370 = arith.index_cast %mul3A_360 : i32 to index
                %swap3A_371 = tpu.vector_load %arg8[%swap3A_369, %swap3A_370] {strides = array<i32>} : memref<32x768xf32, #tpu.memory_space<vmem>>, vector<16xf32>,
                tpu.vector_store %arg8[%swap3A_369, %swap3A_370], %add3A_368 {strides = array<i32>} : memref<32x768xf32, #tpu.memory_space<vmem>>, vector<16xf32>,
              }
              %scan3A_357 = arith.constant 48 : i32
            }
            %while3A_349 = arith.constant 1 : i32
            scf.for %while3A_350 = %while3A_347 to %while3A_343 step %while3A_349  : i32 {
              %add3A_351 = arith.addi %add3A_308, %while3A_350 : i32
              %sub3A_352 = arith.subi %add3A_351, %mul3A_196 : i32
              %scan3A_353 = arith.constant 0 : i32
              %scan3A_354 = arith.constant 48 : i32
              %scan3A_355 = arith.addi %scan3A_353, %scan3A_354 : i32
              %scan3A_356 = arith.constant 1 : i32
              scf.for %scan3A_358 = %scan3A_353 to %scan3A_355 step %scan3A_356  : i32 {
                %mul3A_359 = arith.constant 16 : i32
                %mul3A_360 = arith.muli %scan3A_358, %mul3A_359 : i32
                %get3A_361 = arith.index_cast %sub3A_352 : i32 to index
                %get3A_362 = arith.index_cast %mul3A_360 : i32 to index
                %get3A_363 = tpu.vector_load %arg8[%get3A_361, %get3A_362] {strides = array<i32>} : memref<32x768xf32, #tpu.memory_space<vmem>>, vector<16xf32>,
                %get3A_364 = arith.constant 0 : i32
                %get3A_365 = arith.index_cast %get3A_364 : i32 to index
                %get3A_366 = arith.index_cast %mul3A_360 : i32 to index
                %get3A_367 = tpu.vector_load %arg10[%get3A_365, %get3A_366] {strides = array<i32>} : memref<16x768xf32, #tpu.memory_space<vmem>>, vector<16xf32>,
                %add3A_368 = arith.addf %get3A_363, %get3A_367 : vector<16xf32>
                %swap3A_369 = arith.index_cast %sub3A_352 : i32 to index
                %swap3A_370 = arith.index_cast %mul3A_360 : i32 to index
                %swap3A_371 = tpu.vector_load %arg8[%swap3A_369, %swap3A_370] {strides = array<i32>} : memref<32x768xf32, #tpu.memory_space<vmem>>, vector<16xf32>,
                tpu.vector_store %arg8[%swap3A_369, %swap3A_370], %add3A_368 {strides = array<i32>} : memref<32x768xf32, #tpu.memory_space<vmem>>, vector<16xf32>,
              }
              %scan3A_357 = arith.constant 48 : i32
            }
          } else {
          }
        }
        %scan3A_305 = arith.constant 35 : i32
      } else {
      }
      %mul3A_232 = arith.constant 32 : i32
      %mul3A_233 = arith.muli %add3A_179, %mul3A_232 : i32
      %add3A_234 = arith.addi %mul3A_2, %mul3A_233 : i32
      %dma_start3A_235 = arith.constant 0 : i32
      %dma_start3A_236 = tpu.memref_slice %arg4[%add3A_234, %dma_start3A_235] : memref<16384x768xf32, #tpu.memory_space<hbm>> -> memref<32x768xf32, #tpu.memory_space<hbm>>
      %dma_start3A_237 = arith.constant 0 : i32
      %dma_start3A_238 = tpu.memref_slice %arg4[%add3A_234, %dma_start3A_237] : memref<16384x768xf32, #tpu.memory_space<hbm>> -> memref<32x768xf32, #tpu.memory_space<hbm>>
      tpu.enqueue_dma source(%arg8 : memref<32x768xf32, #tpu.memory_space<vmem>>) target(%dma_start3A_238 : memref<32x768xf32, #tpu.memory_space<hbm>>) target_semaphore(%arg17 : memref<!tpu.dma_semaphore, #tpu.memory_space<semaphore_mem>>)
      %add3A_239 = arith.constant 3 : i32
      %add3A_240 = arith.addi %mul3A_61, %add3A_239 : i32
      %add3A_241 = arith.constant 2 : i32
      %add3A_242 = arith.addi %add3A_240, %add3A_241 : i32
      %lt3A_243 = arith.constant 16 : i32
      %lt3A_244 = arith.cmpi slt, %add3A_242, %lt3A_243 : i32
      %convert_element_type3A_245 = arith.extui %lt3A_244 : i1 to i32
      %cond3A_246 = arith.constant 0 : i32
      %cond3A_247 = arith.cmpi ne, %convert_element_type3A_245, %cond3A_246 : i32
      scf.if %cond3A_247 {
        %add3A_300 = arith.constant 2 : i32
        %add3A_301 = arith.addi %add3A_240, %add3A_300 : i32
        %ge3A = arith.constant 4 : i32
        %ge3A_302 = arith.cmpi sge, %add3A_301, %ge3A : i32
        %convert_element_type3A_303 = arith.extui %ge3A_302 : i1 to i32
        %cond3A_304 = arith.constant 0 : i32
        %cond3A_305 = arith.cmpi ne, %convert_element_type3A_303, %cond3A_304 : i32
        scf.if %cond3A_305 {
          %add3A_316 = arith.constant 2 : i32
          %add3A_317 = arith.addi %add3A_240, %add3A_316 : i32
          %sub3A = arith.constant 4 : i32
          %sub3A_318 = arith.subi %add3A_317, %sub3A : i32
          %mul3A_319 = arith.constant 32 : i32
          %mul3A_320 = arith.muli %sub3A_318, %mul3A_319 : i32
          %add3A_321 = arith.addi %mul3A_2, %mul3A_320 : i32
          %dma_wait3A_322 = arith.constant 0 : i32
          %dma_wait3A_323 = tpu.memref_slice %arg4[%add3A_321, %dma_wait3A_322] : memref<16384x768xf32, #tpu.memory_space<hbm>> -> memref<32x768xf32, #tpu.memory_space<hbm>>
          %dma_wait3A_324 = arith.constant 0 : i32
          %dma_wait3A_325 = tpu.memref_slice %arg4[%add3A_321, %dma_wait3A_324] : memref<16384x768xf32, #tpu.memory_space<hbm>> -> memref<32x768xf32, #tpu.memory_space<hbm>>
          tpu.wait_dma2 semaphore(%arg16 : memref<!tpu.dma_semaphore, #tpu.memory_space<semaphore_mem>>) src(%arg7 : memref<32x768xf32, #tpu.memory_space<vmem>>) dst(%dma_wait3A_325 : memref<32x768xf32, #tpu.memory_space<hbm>>)
        } else {
        }
        %add3A_306 = arith.constant 2 : i32
        %add3A_307 = arith.addi %add3A_240, %add3A_306 : i32
        %mul3A_308 = arith.constant 32 : i32
        %mul3A_309 = arith.muli %add3A_307, %mul3A_308 : i32
        %add3A_310 = arith.constant 8 : i32
        %add3A_311 = arith.addi %add3A_310, %mul3A_309 : i32
        %dma_start3A_312 = tpu.memref_slice %arg5[%add3A_311] : memref<536xi32, #tpu.memory_space<vmem>> -> memref<32xi32, #tpu.memory_space<vmem>>
        %dma_start3A_313 = arith.constant 0 : i32
        %dma_start3A_314 = arith.constant 0 : i32
        %dma_start3A_315 = tpu.memref_slice %arg3[%dma_start3A_313, %dma_start3A_314] : memref<100000x768xf32, #tpu.memory_space<hbm>> -> memref<100000x768xf32, #tpu.memory_space<hbm>>
        tpu.enqueue_indirect_dma source(%dma_start3A_315 : memref<100000x768xf32, #tpu.memory_space<hbm>>) target(%arg7 : memref<32x768xf32, #tpu.memory_space<vmem>>) offsets(%dma_start3A_312 : memref<32xi32, #tpu.memory_space<vmem>>) semaphore(%arg12 : memref<!tpu.dma_semaphore, #tpu.memory_space<semaphore_mem>>)
      } else {
      }
      %mul3A_248 = arith.constant 32 : i32
      %mul3A_249 = arith.muli %add3A_240, %mul3A_248 : i32
      %add3A_250 = arith.constant 8 : i32
      %add3A_251 = arith.addi %add3A_250, %mul3A_249 : i32
      %dma_wait3A_252 = tpu.memref_slice %arg5[%add3A_251] : memref<536xi32, #tpu.memory_space<vmem>> -> memref<32xi32, #tpu.memory_space<vmem>>
      %dma_wait3A_253 = arith.constant 0 : i32
      %dma_wait3A_254 = arith.constant 0 : i32
      %dma_wait3A_255 = tpu.memref_slice %arg3[%dma_wait3A_253, %dma_wait3A_254] : memref<100000x768xf32, #tpu.memory_space<hbm>> -> memref<100000x768xf32, #tpu.memory_space<hbm>>
      tpu.wait_indirect_dma semaphore(%arg14 : memref<!tpu.dma_semaphore, #tpu.memory_space<semaphore_mem>>) src(%dma_wait3A_255 : memref<100000x768xf32, #tpu.memory_space<hbm>>) dst(%arg9 : memref<32x768xf32, #tpu.memory_space<vmem>>)
      %mul3A_256 = arith.constant 32 : i32
      %mul3A_257 = arith.muli %add3A_240, %mul3A_256 : i32
      %add3A_258 = arith.constant 4 : i32
      %add3A_259 = arith.addi %mul3A_257, %add3A_258 : i32
      %get3A_260 = arith.index_cast %add3A_259 : i32 to index
      %get3A_261 = tpu.vector_load %arg5[%get3A_260] {strides = array<i32>} : memref<536xi32, #tpu.memory_space<vmem>>, vector<16xi32>,
      %eq3A_262 = arith.constant 5 : i32
      %eq3A_263 = vector.broadcast %eq3A_262 : i32 to vector<16xi32>
      %eq3A_264 = arith.cmpi eq, %get3A_261, %eq3A_263 : vector<16xi32>
      %add3A_265 = arith.constant 4 : i32
      %add3A_266 = arith.addi %mul3A_257, %add3A_265 : i32
      %add3A_267 = arith.constant 16 : i32
      %add3A_268 = arith.addi %add3A_266, %add3A_267 : i32
      %get3A_269 = arith.index_cast %add3A_268 : i32 to index
      %get3A_270 = tpu.vector_load %arg5[%get3A_269] {strides = array<i32>} : memref<536xi32, #tpu.memory_space<vmem>>, vector<16xi32>,
      %eq3A_271 = arith.constant 5 : i32
      %eq3A_272 = vector.broadcast %eq3A_271 : i32 to vector<16xi32>
      %eq3A_273 = arith.cmpi eq, %get3A_270, %eq3A_272 : vector<16xi32>
      %or3A_274 = arith.ori %eq3A_264, %eq3A_273 : vector<16xi1>
      %add3A_275 = arith.constant 4 : i32
      %add3A_276 = arith.addi %mul3A_257, %add3A_275 : i32
      %add3A_277 = arith.constant 32 : i32
      %add3A_278 = arith.addi %add3A_276, %add3A_277 : i32
      %get3A_279 = arith.index_cast %add3A_278 : i32 to index
      %get3A_280 = tpu.vector_load %arg5[%get3A_279] {strides = array<i32>} : memref<536xi32, #tpu.memory_space<vmem>>, vector<16xi32>,
      %eq3A_281 = arith.constant 5 : i32
      %eq3A_282 = vector.broadcast %eq3A_281 : i32 to vector<16xi32>
      %eq3A_283 = arith.cmpi eq, %get3A_280, %eq3A_282 : vector<16xi32>
      %or3A_284 = arith.ori %or3A_274, %eq3A_283 : vector<16xi1>
      %all_reduce_population_count3A_285 = tpu.all_reduce %or3A_284 {dim = 0 : i64, kind = #tpu.reduction_kind<sum>} : vector<16xi1> -> vector<16xi32>
      %slice3A_286 = vector.extract_strided_slice %all_reduce_population_count3A_285 {offsets = [0], sizes = [1], strides = [1]} : vector<16xi32> to vector<1xi32>
      %squeeze3A_287 = vector.extract %slice3A_286[0] : i32 from vector<1xi32>
      %gt3A_288 = arith.constant 0 : i32
      %gt3A_289 = arith.cmpi sgt, %squeeze3A_287, %gt3A_288 : i32
      %convert_element_type3A_290 = arith.extui %gt3A_289 : i1 to i32
      %cond3A_291 = arith.constant 0 : i32
      %cond3A_292 = arith.cmpi ne, %convert_element_type3A_290, %cond3A_291 : i32
      scf.if %cond3A_292 {
        %scan3A_300 = arith.constant 0 : i32
        %scan3A_301 = arith.constant 0 : i32
        %scan3A_302 = arith.constant 35 : i32
        %scan3A_303 = arith.addi %scan3A_301, %scan3A_302 : i32
        %scan3A_304 = arith.constant 1 : i32
        scf.for %scan3A_306 = %scan3A_301 to %scan3A_303 step %scan3A_304  : i32 {
          %sub3A = arith.constant 4 : i32
          %sub3A_307 = arith.subi %mul3A_257, %sub3A : i32
          %add3A_308 = arith.addi %sub3A_307, %scan3A_306 : i32
          %add3A_309 = arith.constant 8 : i32
          %add3A_310 = arith.addi %add3A_308, %add3A_309 : i32
          %get3A_311 = arith.index_cast %add3A_310 : i32 to index
          %get3A_312 = tpu.vector_load %arg5[%get3A_311] {strides = array<i32>} : memref<536xi32, #tpu.memory_space<vmem>>, vector<16xi32>,
          %slice3A_313 = vector.extract_strided_slice %get3A_312 {offsets = [0], sizes = [1], strides = [1]} : vector<16xi32> to vector<1xi32>
          %squeeze3A_314 = vector.extract %slice3A_313[0] : i32 from vector<1xi32>
          %slice3A_315 = vector.extract_strided_slice %get3A_312 {offsets = [1], sizes = [1], strides = [1]} : vector<16xi32> to vector<1xi32>
          %squeeze3A_316 = vector.extract %slice3A_315[0] : i32 from vector<1xi32>
          %eq3A_317 = arith.constant 5 : i32
          %eq3A_318 = arith.cmpi eq, %squeeze3A_316, %eq3A_317 : i32
          %ne3A_319 = arith.constant 5 : i32
          %ne3A_320 = arith.cmpi ne, %squeeze3A_314, %ne3A_319 : i32
          %and3A_321 = arith.andi %eq3A_318, %ne3A_320 : i1
          %convert_element_type3A_322 = arith.extui %and3A_321 : i1 to i32
          %cond3A_323 = arith.constant 0 : i32
          %cond3A_324 = arith.cmpi ne, %convert_element_type3A_322, %cond3A_323 : i32
          scf.if %cond3A_324 {
            %broadcast_in_dim3A_325 = vector.broadcast %squeeze3A_314 : i32 to vector<16xi32>
            %dma_start3A_326 = arith.constant 0 : i32
            %dma_start3A_327 = arith.constant 0 : i32
            %dma_start3A_328 = tpu.memref_slice %arg3[%dma_start3A_326, %dma_start3A_327] : memref<100000x768xf32, #tpu.memory_space<hbm>> -> memref<100000x768xf32, #tpu.memory_space<hbm>>
            tpu.enqueue_indirect_dma source(%dma_start3A_328 : memref<100000x768xf32, #tpu.memory_space<hbm>>) target(%arg10 : memref<16x768xf32, #tpu.memory_space<vmem>>) offsets(%broadcast_in_dim3A_325 : vector<16xi32>) semaphore(%arg19 : memref<!tpu.dma_semaphore, #tpu.memory_space<semaphore_mem>>)
            %dma_wait3A_329 = arith.constant 0 : i32
            %dma_wait3A_330 = arith.constant 0 : i32
            %dma_wait3A_331 = tpu.memref_slice %arg3[%dma_wait3A_329, %dma_wait3A_330] : memref<100000x768xf32, #tpu.memory_space<hbm>> -> memref<100000x768xf32, #tpu.memory_space<hbm>>
            tpu.wait_indirect_dma semaphore(%arg19 : memref<!tpu.dma_semaphore, #tpu.memory_space<semaphore_mem>>) src(%dma_wait3A_331 : memref<100000x768xf32, #tpu.memory_space<hbm>>) dst(%arg10 : memref<16x768xf32, #tpu.memory_space<vmem>>)
            %sub3A_332 = arith.subi %mul3A_257, %add3A_308 : i32
            %max3A = arith.constant 1 : i32
            %max3A_333 = arith.maxsi %max3A, %sub3A_332 : i32
            %add3A_334 = arith.constant 32 : i32
            %add3A_335 = arith.addi %mul3A_257, %add3A_334 : i32
            %sub3A_336 = arith.constant 1 : i32
            %sub3A_337 = arith.subi %add3A_335, %sub3A_336 : i32
            %sub3A_338 = arith.subi %sub3A_337, %add3A_308 : i32
            %min3A = arith.constant 4 : i32
            %min3A_339 = arith.minsi %min3A, %sub3A_338 : i32
            %add3A_340 = arith.constant 1 : i32
            %add3A_341 = arith.addi %min3A_339, %add3A_340 : i32
            %while3A = arith.constant 0 : i32
            %while3A_342 = arith.subi %add3A_341, %max3A_333 : i32
            %while3A_343 = arith.addi %max3A_333, %while3A_342 : i32
            %while3A_344 = arith.constant 1 : i32
            %while3A_345 = arith.divsi %while3A_342, %while3A_344 : i32
            %while3A_346 = arith.muli %while3A_345, %while3A_344 : i32
            %while3A_347 = arith.addi %max3A_333, %while3A_346 : i32
            %while3A_348 = arith.constant 1 : i32
            scf.for %while3A_350 = %max3A_333 to %while3A_347 step %while3A_348  : i32 {
              %add3A_351 = arith.addi %add3A_308, %while3A_350 : i32
              %sub3A_352 = arith.subi %add3A_351, %mul3A_257 : i32
              %scan3A_353 = arith.constant 0 : i32
              %scan3A_354 = arith.constant 48 : i32
              %scan3A_355 = arith.addi %scan3A_353, %scan3A_354 : i32
              %scan3A_356 = arith.constant 1 : i32
              scf.for %scan3A_358 = %scan3A_353 to %scan3A_355 step %scan3A_356  : i32 {
                %mul3A_359 = arith.constant 16 : i32
                %mul3A_360 = arith.muli %scan3A_358, %mul3A_359 : i32
                %get3A_361 = arith.index_cast %sub3A_352 : i32 to index
                %get3A_362 = arith.index_cast %mul3A_360 : i32 to index
                %get3A_363 = tpu.vector_load %arg9[%get3A_361, %get3A_362] {strides = array<i32>} : memref<32x768xf32, #tpu.memory_space<vmem>>, vector<16xf32>,
                %get3A_364 = arith.constant 0 : i32
                %get3A_365 = arith.index_cast %get3A_364 : i32 to index
                %get3A_366 = arith.index_cast %mul3A_360 : i32 to index
                %get3A_367 = tpu.vector_load %arg10[%get3A_365, %get3A_366] {strides = array<i32>} : memref<16x768xf32, #tpu.memory_space<vmem>>, vector<16xf32>,
                %add3A_368 = arith.addf %get3A_363, %get3A_367 : vector<16xf32>
                %swap3A_369 = arith.index_cast %sub3A_352 : i32 to index
                %swap3A_370 = arith.index_cast %mul3A_360 : i32 to index
                %swap3A_371 = tpu.vector_load %arg9[%swap3A_369, %swap3A_370] {strides = array<i32>} : memref<32x768xf32, #tpu.memory_space<vmem>>, vector<16xf32>,
                tpu.vector_store %arg9[%swap3A_369, %swap3A_370], %add3A_368 {strides = array<i32>} : memref<32x768xf32, #tpu.memory_space<vmem>>, vector<16xf32>,
              }
              %scan3A_357 = arith.constant 48 : i32
            }
            %while3A_349 = arith.constant 1 : i32
            scf.for %while3A_350 = %while3A_347 to %while3A_343 step %while3A_349  : i32 {
              %add3A_351 = arith.addi %add3A_308, %while3A_350 : i32
              %sub3A_352 = arith.subi %add3A_351, %mul3A_257 : i32
              %scan3A_353 = arith.constant 0 : i32
              %scan3A_354 = arith.constant 48 : i32
              %scan3A_355 = arith.addi %scan3A_353, %scan3A_354 : i32
              %scan3A_356 = arith.constant 1 : i32
              scf.for %scan3A_358 = %scan3A_353 to %scan3A_355 step %scan3A_356  : i32 {
                %mul3A_359 = arith.constant 16 : i32
                %mul3A_360 = arith.muli %scan3A_358, %mul3A_359 : i32
                %get3A_361 = arith.index_cast %sub3A_352 : i32 to index
                %get3A_362 = arith.index_cast %mul3A_360 : i32 to index
                %get3A_363 = tpu.vector_load %arg9[%get3A_361, %get3A_362] {strides = array<i32>} : memref<32x768xf32, #tpu.memory_space<vmem>>, vector<16xf32>,
                %get3A_364 = arith.constant 0 : i32
                %get3A_365 = arith.index_cast %get3A_364 : i32 to index
                %get3A_366 = arith.index_cast %mul3A_360 : i32 to index
                %get3A_367 = tpu.vector_load %arg10[%get3A_365, %get3A_366] {strides = array<i32>} : memref<16x768xf32, #tpu.memory_space<vmem>>, vector<16xf32>,
                %add3A_368 = arith.addf %get3A_363, %get3A_367 : vector<16xf32>
                %swap3A_369 = arith.index_cast %sub3A_352 : i32 to index
                %swap3A_370 = arith.index_cast %mul3A_360 : i32 to index
                %swap3A_371 = tpu.vector_load %arg9[%swap3A_369, %swap3A_370] {strides = array<i32>} : memref<32x768xf32, #tpu.memory_space<vmem>>, vector<16xf32>,
                tpu.vector_store %arg9[%swap3A_369, %swap3A_370], %add3A_368 {strides = array<i32>} : memref<32x768xf32, #tpu.memory_space<vmem>>, vector<16xf32>,
              }
              %scan3A_357 = arith.constant 48 : i32
            }
          } else {
          }
        }
        %scan3A_305 = arith.constant 35 : i32
      } else {
      }
      %mul3A_293 = arith.constant 32 : i32
      %mul3A_294 = arith.muli %add3A_240, %mul3A_293 : i32
      %add3A_295 = arith.addi %mul3A_2, %mul3A_294 : i32
      %dma_start3A_296 = arith.constant 0 : i32
      %dma_start3A_297 = tpu.memref_slice %arg4[%add3A_295, %dma_start3A_296] : memref<16384x768xf32, #tpu.memory_space<hbm>> -> memref<32x768xf32, #tpu.memory_space<hbm>>
      %dma_start3A_298 = arith.constant 0 : i32
      %dma_start3A_299 = tpu.memref_slice %arg4[%add3A_295, %dma_start3A_298] : memref<16384x768xf32, #tpu.memory_space<hbm>> -> memref<32x768xf32, #tpu.memory_space<hbm>>
      tpu.enqueue_dma source(%arg9 : memref<32x768xf32, #tpu.memory_space<vmem>>) target(%dma_start3A_299 : memref<32x768xf32, #tpu.memory_space<hbm>>) target_semaphore(%arg18 : memref<!tpu.dma_semaphore, #tpu.memory_space<semaphore_mem>>)
    }
    %scan3A_35 = arith.constant 4 : i32
    %add3A_36 = arith.constant 384 : i32
    %add3A_37 = arith.addi %mul3A_2, %add3A_36 : i32
    %dma_wait3A = arith.constant 0 : i32
    %dma_wait3A_38 = tpu.memref_slice %arg4[%add3A_37, %dma_wait3A] : memref<16384x768xf32, #tpu.memory_space<hbm>> -> memref<32x768xf32, #tpu.memory_space<hbm>>
    %dma_wait3A_39 = arith.constant 0 : i32
    %dma_wait3A_40 = tpu.memref_slice %arg4[%add3A_37, %dma_wait3A_39] : memref<16384x768xf32, #tpu.memory_space<hbm>> -> memref<32x768xf32, #tpu.memory_space<hbm>>
    tpu.wait_dma2 semaphore(%arg15 : memref<!tpu.dma_semaphore, #tpu.memory_space<semaphore_mem>>) src(%arg6 : memref<32x768xf32, #tpu.memory_space<vmem>>) dst(%dma_wait3A_40 : memref<32x768xf32, #tpu.memory_space<hbm>>)
    %add3A_41 = arith.constant 416 : i32
    %add3A_42 = arith.addi %mul3A_2, %add3A_41 : i32
    %dma_wait3A_43 = arith.constant 0 : i32
    %dma_wait3A_44 = tpu.memref_slice %arg4[%add3A_42, %dma_wait3A_43] : memref<16384x768xf32, #tpu.memory_space<hbm>> -> memref<32x768xf32, #tpu.memory_space<hbm>>
    %dma_wait3A_45 = arith.constant 0 : i32
    %dma_wait3A_46 = tpu.memref_slice %arg4[%add3A_42, %dma_wait3A_45] : memref<16384x768xf32, #tpu.memory_space<hbm>> -> memref<32x768xf32, #tpu.memory_space<hbm>>
    tpu.wait_dma2 semaphore(%arg16 : memref<!tpu.dma_semaphore, #tpu.memory_space<semaphore_mem>>) src(%arg7 : memref<32x768xf32, #tpu.memory_space<vmem>>) dst(%dma_wait3A_46 : memref<32x768xf32, #tpu.memory_space<hbm>>)
    %add3A_47 = arith.constant 448 : i32
    %add3A_48 = arith.addi %mul3A_2, %add3A_47 : i32
    %dma_wait3A_49 = arith.constant 0 : i32
    %dma_wait3A_50 = tpu.memref_slice %arg4[%add3A_48, %dma_wait3A_49] : memref<16384x768xf32, #tpu.memory_space<hbm>> -> memref<32x768xf32, #tpu.memory_space<hbm>>
    %dma_wait3A_51 = arith.constant 0 : i32
    %dma_wait3A_52 = tpu.memref_slice %arg4[%add3A_48, %dma_wait3A_51] : memref<16384x768xf32, #tpu.memory_space<hbm>> -> memref<32x768xf32, #tpu.memory_space<hbm>>
    tpu.wait_dma2 semaphore(%arg17 : memref<!tpu.dma_semaphore, #tpu.memory_space<semaphore_mem>>) src(%arg8 : memref<32x768xf32, #tpu.memory_space<vmem>>) dst(%dma_wait3A_52 : memref<32x768xf32, #tpu.memory_space<hbm>>)
    %add3A_53 = arith.constant 480 : i32
    %add3A_54 = arith.addi %mul3A_2, %add3A_53 : i32
    %dma_wait3A_55 = arith.constant 0 : i32
    %dma_wait3A_56 = tpu.memref_slice %arg4[%add3A_54, %dma_wait3A_55] : memref<16384x768xf32, #tpu.memory_space<hbm>> -> memref<32x768xf32, #tpu.memory_space<hbm>>
    %dma_wait3A_57 = arith.constant 0 : i32
    %dma_wait3A_58 = tpu.memref_slice %arg4[%add3A_54, %dma_wait3A_57] : memref<16384x768xf32, #tpu.memory_space<hbm>> -> memref<32x768xf32, #tpu.memory_space<hbm>>
    tpu.wait_dma2 semaphore(%arg18 : memref<!tpu.dma_semaphore, #tpu.memory_space<semaphore_mem>>) src(%arg9 : memref<32x768xf32, #tpu.memory_space<vmem>>) dst(%dma_wait3A_58 : memref<32x768xf32, #tpu.memory_space<hbm>>)
    return
  }
}

</mosaic_0001>

<sc_bundles>
// kernel: kernel.3.cloned.1.call-start
scs
__scs_entry_jumppad:
0x0: {  	(pc) =	sbr.rel $0x88, $3  }
0x1: {  	(tag) =	ssettag $0x0;
	lr =	simm.s32 $0x1  }
0x2: {  	[smem:$0x3F9F] =	sst lr;
	_ =	strace $0xD0000000  }
0x3: {  	_ = 	snop  }
0x4: {  	_ = 	snop  }
0x5: {  	_ = 	snop  }
0x6: {  	_ = 	snop  }
0x7: {  	_ = 	snop  }
__scs_overlays_trampoline_lowered:
0x8: {  	[smem:$0x3FAE] =	sst s0  }
0x9: {  	[smem:$0x3FAF] =	sst s1  }
0xa: {  	[smem:$0x3FB0] =	sst s2  }
0xb: {  	[smem:$0x3FB1] =	sst s3  }
0xc: {  	[smem:$0x3FB2] =	sst s4  }
0xd: {  	[smem:$0x3FB3] =	sst s5  }
0xe: {  	[smem:$0x3FB4] =	sst s6  }
0xf: {  	[smem:$0x3FB5] =	sst s7  }
0x10: {  	[smem:$0x3FB6] =	sst s8  }
0x11: {  	[smem:$0x3FB7] =	sst s9;
	s0 =	simm.s32 @!p0 $0x0  }
0x12: {  	s1 =	sld [smem:$0x3F9D];
	s0 =	simm.s32 @p0 $0x1  }
0x13: {  	[smem:$0x3FB8] =	sst s0;
	s0 =	simm.s32 @!p1 $0x0  }
0x14: {  	s2 =	sld [smem:$0x3F9C];
	s0 =	simm.s32 @p1 $0x1  }
0x15: {  	[smem:$0x3FB9] =	sst s0;
	s0 =	simm.s32 @!p2 $0x0  }
0x16: {  	s3 =	sld [smem:$0x3FDB];
	s0 =	simm.s32 @p2 $0x1  }
0x17: {  	s4 =	simm.s32 $0x1BF5;
	[smem:$0x3FBB] =	sst s0  }
0x18: {  	s0 =	sld [smem:$0x3F9E];
	_ =	swait.ge [sflag:s4], $0x0  }
0x19: {  	s7 =	sld [smem:$0x3F9F]  }
0x1a: {  	s8 =	sadd.s32 $0xFFFFE003, lr  }
0x1b: {  	s9 =	sadd.s32 $0xFFFFFEF7, lr;
	s5 =	simm.s32 $0xFFFFFFFF;
	p2 =	slt.u32 s8, $0xFFFFF086  }
0x1c: {  	p1 =	slt.u32 s9, $0xF7A;
	s5 =	simm.s32 @!p2 $0x0  }
0x1d: {  	s5 =	simm.s32 @p1 $0x1;
	p0 =	seq.s32 s7, s2  }
0x1e: {  	s7 =	smul.u32 @!p0 $0xF7A, s2;
	p2 =	seq.s32 @!p0 s5, $0x0  }
0x1f: {  	s9 =	smul.u32 $0xF7A, s1;
	s8 =	simm.s32 @!p0 $0x1BF5;
	p2 =	por !p2, p0  }
0x20: {  	[sflag:s8] =	ssyncset.s32 @!p0 $0xFFFFF086;
	s6 =	sadd.s32 @!p0 s3, s7;
	s7 =	simm.s32 @!p0 $0x108  }
0x21: {  	s3 =	sadd.s32 s3, s9;
	s6 =	sadd.s32 @!p0 $0x88, s6;
	s7 =	simm.s32 @p2 $0x1082  }
0x22: {  	[simem:s7], [sflag:s8] =	dma.local @!p0 [hbm:s6], $0xF7A  }
0x23: {  	s9 =	sor.u32 $0xD0000000, s2;
	s6 =	simm.s32 $0x108;
	_ =	swait.ge @!p0 [sflag:s8], $0x0  }
0x24: {  	s3 =	sadd.s32 $0x88, s3;
	s6 =	simm.s32 @!p1 $0x1082;
	[sflag:s4] =	ssyncset.s32 $0xFFFFF086  }
0x25: {  	[simem:s6], [sflag:s4] =	dma.local [hbm:s3], $0xF7A  }
0x26: {  	[smem:$0x3F9F] =	sst s1;
	(tag) =	ssettag s2;
	_ =	strace s9  }
0x27: {  	s1 =	sld [smem:$0x3FAF]  }
0x28: {  	s2 =	sld [smem:$0x3FB0]  }
0x29: {  	s4 =	sld [smem:$0x3FB2]  }
0x2a: {  	p0 =	seq.s32 s5, $0x0;
	s5 =	sld [smem:$0x3FB3]  }
0x2b: {  	s6 =	sld [smem:$0x3FB4]  }
0x2c: {  	s7 =	sld [smem:$0x3FB5]  }
0x2d: {  	s3 =	simm.s32 $0x108;
	s8 =	sld [smem:$0x3FB6]  }
0x2e: {  	s3 =	simm.s32 @!p0 $0x1082;
	s9 =	sld [smem:$0x3FB7]  }
0x2f: {  	lr =	sadd.s32 s0, s3;
	s0 =	sld [smem:$0x3FAE]  }
0x30: {  	s3 =	sld [smem:$0x3FB1]  }
0x31: {  	[smem:$0x3FBA] =	sst s10  }
0x32: {  	s10 =	sld [smem:$0x3FB8];
	_ =	sdelay $0x3  }
0x33: {  	p0 =	seq.s32 s10, $0x1;
	s10 =	sld [smem:$0x3FBA];
	_ =	sdelay $0x3  }
0x34: {  	[smem:$0x3FBA] =	sst s10  }
0x35: {  	s10 =	sld [smem:$0x3FB9];
	_ =	sdelay $0x3  }
0x36: {  	p1 =	seq.s32 s10, $0x1;
	s10 =	sld [smem:$0x3FBA];
	_ =	sdelay $0x3  }
0x37: {  	[smem:$0x3FBA] =	sst s10  }
0x38: {  	s10 =	sld [smem:$0x3FBB]  }
0x39: {  	_ = 	snop;
	(pc) =	sbr.ind lr, $3  }
0x3a: {  	_ = 	snop  }
0x3b: {  	_ = 	snop  }
0x3c: {  	p2 =	seq.s32 s10, $0x1;
	s10 =	sld [smem:$0x3FBA]  }
0x3d: {  	_ =	shalt  }
0x3e: {  	_ =	shalt  }
0x3f: {  	_ =	shalt  }
0x40: {  	_ =	shalt  }
0x41: {  	_ =	shalt  }
0x42: {  	_ =	shalt  }
0x43: {  	_ =	shalt  }
0x44: {  	_ =	shalt  }
0x45: {  	_ =	shalt  }
0x46: {  	_ =	shalt  }
0x47: {  	_ =	shalt  }
0x48: {  	_ =	shalt  }
0x49: {  	_ =	shalt  }
0x4a: {  	_ =	shalt  }
0x4b: {  	_ =	shalt  }
0x4c: {  	_ =	shalt  }
0x4d: {  	_ =	shalt  }
0x4e: {  	_ =	shalt  }
0x4f: {  	_ =	shalt  }
0x50: {  	_ =	shalt  }
0x51: {  	_ =	shalt  }
0x52: {  	_ =	shalt  }
0x53: {  	_ =	shalt  }
0x54: {  	_ =	shalt  }
0x55: {  	_ =	shalt  }
0x56: {  	_ =	shalt  }
0x57: {  	_ =	shalt  }
0x58: {  	_ =	shalt  }
0x59: {  	_ =	shalt  }
0x5a: {  	_ =	shalt  }
0x5b: {  	_ =	shalt  }
0x5c: {  	_ =	shalt  }
0x5d: {  	_ =	shalt  }
0x5e: {  	_ =	shalt  }
0x5f: {  	_ =	shalt  }
0x60: {  	_ =	shalt  }
0x61: {  	_ =	shalt  }
0x62: {  	_ =	shalt  }
0x63: {  	_ =	shalt  }
0x64: {  	_ =	shalt  }
0x65: {  	_ =	shalt  }
0x66: {  	_ =	shalt  }
0x67: {  	_ =	shalt  }
0x68: {  	_ =	shalt  }
0x69: {  	_ =	shalt  }
0x6a: {  	_ =	shalt  }
0x6b: {  	_ =	shalt  }
0x6c: {  	_ =	shalt  }
0x6d: {  	_ =	shalt  }
0x6e: {  	_ =	shalt  }
0x6f: {  	_ =	shalt  }
0x70: {  	_ =	shalt  }
0x71: {  	_ =	shalt  }
0x72: {  	_ =	shalt  }
0x73: {  	_ =	shalt  }
0x74: {  	_ =	shalt  }
0x75: {  	_ =	shalt  }
0x76: {  	_ =	shalt  }
0x77: {  	_ =	shalt  }
0x78: {  	_ =	shalt  }
0x79: {  	_ =	shalt  }
0x7a: {  	_ =	shalt  }
0x7b: {  	_ =	shalt  }
0x7c: {  	_ =	shalt  }
0x7d: {  	_ =	shalt  }
0x7e: {  	_ =	shalt  }
0x7f: {  	_ =	shalt  }
0x80: {  	_ =	shalt  }
0x81: {  	_ =	shalt  }
0x82: {  	_ =	shalt  }
0x83: {  	_ =	shalt  }
0x84: {  	_ =	shalt  }
0x85: {  	_ =	shalt  }
0x86: {  	_ =	shalt  }
0x87: {  	_ =	shalt  }
.Lfunc_end0:
.L_simem_size_0:
called_computation_lowered:
.L_overlay_start_0:
0x88: {  	s2 =	sld [smem:$0x3FD9]  }
0x89: {  	s3 =	sld [smem:$0x3FFE];
	_ =	sdelay $0x1  }
0x8a: {  	s1 =	srdreg.scid  }
0x8b: {  	s0 =	sand.u32 $0x1, s1  }
0x8c: {  	s17 =	sshll.u32 s0, $0xA;
	s2 =	sadd.s32 s3, s2  }
0x8d: {  	s2 =	sadd.s32 s2, s17  }
0x8e: {  	[smem:$0x3FC6] =	sst s2  }
0x8f: {  	_ = 	snop  }
0x90: {  	s2 =	sld [smem:$0x3FC8]  }
0x91: {  	s18 =	sld [smem:$0x3FD0];
	(tm) =	ssettm $0x1  }
0x92: {  	s4 =	sld [smem:$0x3FFB];
	_ =	sdelay $0x3  }
0x93: {  	_ =	strace s4  }
0x94: {  	s4 =	sld [smem:$0x3FFC];
	_ =	sdelay $0x3  }
0x95: {  	_ =	strace s4  }
0x96: {  	s4 =	sld [smem:$0x3FFD];
	_ =	sdelay $0x3  }
0x97: {  	_ =	strace s4  }
0x98: {  	_ =	strace $0x8FFFFFFF  }
0x99: {  	s19 =	sld [smem:$0x3FDB];
	_ =	sdelay $0x1  }
0x9a: {  	s5 =	simm.s32 $_scs_section_size  }
0x9b: {  	s6 =	simm.s32 $_size__tile_overlayer_lowered;
	s7 =	simm.s32 $_tile_overlayer_lowered  }
0x9c: {  	s22 =	simm.s32 $0x1BFF;
	s21 =	sshll.u32 s7, $0x1;
	s4 =	sadd.s32 s5, s19  }
0x9d: {  	s8 =	simm.s32 $0x0;
	s20 =	sshll.u32 s6, $0x1;
	s6 =	sadd.s32 s21, s4  }
0x9e: {  	[timem:s8], [sflag:s22] =	dma.local [hbm:s6], s20  }
0x9f: {  	_ =	swait.ge [sflag:s22], s20  }
0xa0: {  	s5 =	ssub.s32 $0x0, s20;
	[sflag:s22] =	ssyncset.done $0x0  }
0xa1: {  	[sflag:s22] =	ssyncadd.s32 s5;
	_ =	sdelay $0x1  }
0xa2: {  	s23 =	simm.s32 $0x1B8B  }
0xa3: {  	_ =	swait.ge [sflag:s23], $0x1  }
0xa4: {  	[sflag:s23] =	ssyncset.done $0x0  }
0xa5: {  	s25 =	simm.s32 $0x1B8E;
	s24 =	sld [smem:$0x3FFE];
	[sflag:s23] =	ssyncadd.s32 $0xFFFFFFFF  }
0xa6: {  	s26 =	simm.s32 $execute0_lowered;
	[smem:$0x3FD2] =	sst s25  }
0xa7: {  	s6 =	sshll.u32 s26, $0x1;
	_ =	strace $0x80000046;
	[dreg:$0x1] =	wrdreg $0xFFFFFFFF  }
0xa8: {  	s28 =	simm.s32 $_size_execute0_lowered;
	s4 =	sadd.s32 s4, s6;
	[dreg:$0x0] =	wrdreg $0x0  }
0xa9: {  	s6 =	sshll.u32 s28, $0x1;
	[dreg:$0x2] =	wrdreg s4  }
0xaa: {  	[dreg:$0x3] =	wrdreg s6  }
0xab: {  	[dreg:$0x4] =	wrdreg $0xC0  }
0xac: {  	_ =	task [dreg:s8], $0x5FFFF  }
0xad: {  	[dreg:$0x1] =	wrdreg $0xFFFFFFFF  }
0xae: {  	[dreg:$0x0] =	wrdreg $0x60  }
0xaf: {  	[dreg:$0x2] =	wrdreg s24  }
0xb0: {  	[dreg:$0x3] =	wrdreg s2  }
0xb1: {  	[dreg:$0x4] =	wrdreg s18  }
0xb2: {  	[dreg:$0x5] =	wrdreg $0x9  }
0xb3: {  	_ =	task.clear_ibuf [dreg:s8], $0x6FFFF;
	_ =	strace $0x90000046  }
0xb4: {  	s29 =	simm.s32 $0x9;
	_ =	strace $0x80000048  }
0xb5: {  	_ =	swait.ge [sflag:s29], $0x1  }
0xb6: {  	[sflag:s29] =	ssyncadd.s32 $0xFFFFFFFF  }
0xb7: {  	_ =	strace $0x90000048  }
0xb8: {  	_ =	sfence  }
0xb9: {  	s30 =	sld [smem:$0x0];
	_ =	sdelay $0x2  }
0xba: {  	s31 =	sshll.u32 s1, $0xD;
	s1 =	sshrl.u32 s1, $0x2  }
0xbb: {  	s3 =	sand.u32 $0x4000, s31;
	s1 =	sadd.s32 s1, s30  }
0xbc: {  	s0 =	sor.u32 s3, s0;
	s1 =	sshll.u32 s1, $0x11  }
0xbd: {  	s0 =	sor.u32 s1, s0  }
0xbe: {  	s0 =	sadd.s32 $0x8F2B, s0  }
0xbf: {  	[sflag:s0] =	ssyncadd.remote.s32 $0x1  }
0xc0: {  	_ =	sfence.sel $0xFFFF  }
0xc1: {  	[dreg:$0x0] =	wrdreg $0xFFFFFFFF;
	(pc) =	sbr.abs _section_cstart, $3  }
0xc2: {  	[dreg:$0x1] =	wrdreg $0xFFFFFFFF  }
0xc3: {  	_ =	task.clear_ibuf [dreg:s8], $0x2FFFF;
	_ =	strace $0x9FFFFFFF  }
0xc4: {  	(tm) =	ssettm $0x7FFFFFFF  }
0xc5: {  	_ =	shalt  }
tec
execute0_lowered:
.L_overlay_start_1:
0x0: {  	(tag) =	ssettag $0x1  }
0x1: {  	s0 =	rddreg [dreg:$0x0]  }
0x2: {  	s1 =	rddreg [dreg:$0x1]  }
0x3: {  	s3 =	rddreg [dreg:$0x2]  }
0x4: {  	s4 =	simm.s32 $0x0;
	s2 =	srdreg.scid;
	s5 =	stileid.u32  }
0x5: {  	s18 =	simm.s32 $0xC280;
	s20 =	simm.s32 $0x17A80;
	s21 =	simm.s32 $0x2  }
0x6: {  	s22 =	simm.s32 $0x3;
	s23 =	simm.s32 $0x4;
	s10 =	simm.s32 $0x0  }
0x7: {  	[smem:$0x7FF] =	sst s4;
	s2 =	sand.u32 $0x1, s2;
	s5 =	sshll.u32 s5, $0x1  }
0x8: {  	s0 =	sadd.s32 $0x400, s0;
	s9 =	sadd.s32 $0x200, s1;
	s6 =	ssub.s32 $0x2, s2  }
0x9: {  	_ =	strace $0x80000047;
	s2 =	sor.u32 s2, s5;
	s7 =	sshrl.u32 s6, $0x1  }
0xa: {  	s5 =	sshll.u32 s2, $0x9;
	s29 =	sshll.u32 s2, $0x6;
	s2 =	sand.u32 $0x7, s2  }
.Ltmp0:
0xb: {  	s6 =	ssub.s32 s6, s7;
	s8 =	sadd.s32 $0xFFFFFFF8, s5;
	(pc) =	sbr.rel .LBB2_1-.Ltmp0, $4  }
0xc: {  	s7 =	sadd.s32 s0, s29;
	p0 =	seq.s32 s2, $0x0;
	s2 =	simm.s32 $0x12280  }
0xd: {  	v0 =	vimm.s32 $0x5;
	v4 =	vlaneseq.u32;
	[dreg:$0x4] =	wrdreg s7;
	s30 =	sshrl.u32 s8, $0x3;
	s31 =	smax.u32 s6, $0x1  }
0xe: {  	v1 =	vimm.s32 $0x0;
	vm0 =	vmmov $0xffff;
	v3 =	vshrl.u32 v4, $0x3;
	s8 =	sadd.s32 $0x100, s1;
	s0 =	sadd.s32 s0, s30;
	[dreg:$0x6] =	wrdreg s31  }
0xf: {  	v2 =	vand.u32 $0x7, v4;
	v4 =	vor.u32 $0x8, v4;
	v3 =	vmul.u32 $0x8, v3;
	s7 =	simm.s32 $0x8;
	[dreg:$0x5] =	wrdreg s0;
	s0 =	simm.s32 $0x1  }
.LBB2_31:
0x10: {  	s6 =	simm.s32 $0x5  }
0x11: {  	_ =	swait.ge [sflag:s6], $0x6000  }
0x12: {  	[sflag:s6] =	ssyncset.done $0x0  }
0x13: {  	s29 =	simm.s32 $0x6;
	[sflag:s6] =	ssyncadd.s32 $0xFFFFA000  }
0x14: {  	_ =	swait.ge [sflag:s29], $0x6000  }
0x15: {  	[sflag:s29] =	ssyncset.done $0x0  }
0x16: {  	s30 =	simm.s32 $0x7;
	[sflag:s29] =	ssyncadd.s32 $0xFFFFA000  }
0x17: {  	_ =	swait.ge [sflag:s30], $0x6000  }
0x18: {  	[sflag:s30] =	ssyncset.done $0x0  }
0x19: {  	s7 =	simm.s32 $0x8;
	[sflag:s30] =	ssyncadd.s32 $0xFFFFA000  }
0x1a: {  	_ =	swait.ge [sflag:s7], $0x6000  }
0x1b: {  	s10 =	rddreg [dreg:$0x7]  }
0x1c: {  	s31 =	rddreg [dreg:$0x6];
	s10 =	sadd.s32 $0x1, s10  }
0x1d: {  	p1 =	sne.s32 s10, s31  }
.Ltmp1:
0x1e: {  	_ = 	snop;
	(pc) =	sbr.rel @!p1 .LBB2_32-.Ltmp1, $3  }
0x1f: {  	_ =	sdelay $0x1  }
0x20: {  	[sflag:s7] =	ssyncset.done $0x0  }
0x21: {  	[sflag:s7] =	ssyncadd.s32 $0xFFFFA000  }
.LBB2_1:
0x22: {  	[dreg:$0x7] =	wrdreg s10;
	[tilespmem:$0x0] =	vst v0  }
0x23: {  	[tilespmem:$0x208] =	vst v1;
	s6 =	rddreg [dreg:$0x4];
	s19 =	simm.s32 $0xA  }
0x24: {  	[tilespmem:s7], [sflag:$0xA] =	stream.linear.gather [hbm4b:s6+s4], $0x200, $0x38;
	[tilespmem:$0x1B280] =	vst v63  }
0x25: {  	_ =	swait.ge [sflag:s19], $0x200  }
0x26: {  	[sflag:s19] =	ssyncset.done $0x0  }
0x27: {  	s6 =	simm.s32 @!p0 $0x0;
	s7 =	rddreg [dreg:$0x5];
	[sflag:s19] =	ssyncadd.s32 $0xFFFFFE00  }
0x28: {  	[tilespmem:s6], [sflag:$0xA] =	stream.linear.gather @!p0 [hbm4b:s7+s6], $0x8, $0x38;
	[tilespmem:$0x1B280] =	vst v63  }
0x29: {  	s6 =	simm.s32 @!p0 $0xA  }
0x2a: {  	_ =	swait.ge @!p0 [sflag:s6], $0x8  }
0x2b: {  	[sflag:s6] =	ssyncset.done @!p0 $0x0  }
0x2c: {  	[sflag:s6] =	ssyncadd.s32 @!p0 $0xFFFFFFF8  }
0x2d: {  	v5 =	vld [tilespmem:$0x8];
	_ =	sdelay $0x4  }
0x2e: {  	v6 =	vshrl.u32 v5, $0x3  }
0x2f: {  	v6 =	vmul.u32 $0x30, v6  }
0x30: {  	v5 =	vand.u32 $0x7, v5  }
0x31: {  	v5 =	vor.u32 v5, v6  }
0x32: {  	v6 =	vperm.xlane v5, v2;
	_ =	sdelay $0x1  }
0x33: {  	v6 =	vadd.s32 v3, v6;
	_ =	sdelay $0x3  }
0x34: {  	s24 =	simm.s32 $0x280;
	v5 =	vperm.xlane v5, v4  }
0x35: {  	[tilespmem:s24], [sflag:$0x1] =	stream.indirect_vreg.gather [hbm4b:s1+s4], $0x80, v6, vm0, $0xb8;
	[tilespmem:$0x1B280] =	vst v63  }
0x36: {  	s25 =	simm.s32 $0xA80;
	v5 =	vadd.s32 v3, v5  }
0x37: {  	[tilespmem:s25], [sflag:$0x1] =	stream.indirect_vreg.gather [hbm4b:s8+s4], $0x80, v6, vm0, $0xb8;
	[tilespmem:$0x1B280] =	vst v63  }
0x38: {  	s26 =	simm.s32 $0x1280  }
0x39: {  	[tilespmem:s26], [sflag:$0x1] =	stream.indirect_vreg.gather [hbm4b:s9+s4], $0x80, v6, vm0, $0xb8;
	[tilespmem:$0x1B280] =	vst v63  }
0x3a: {  	s28 =	simm.s32 $0x1A80  }
0x3b: {  	[tilespmem:s28], [sflag:$0x1] =	stream.indirect_vreg.gather [hbm4b:s1+s4], $0x80, v5, vm0, $0xb8;
	[tilespmem:$0x1B280] =	vst v63  }
0x3c: {  	s29 =	simm.s32 $0x2280  }
0x3d: {  	[tilespmem:s29], [sflag:$0x1] =	stream.indirect_vreg.gather [hbm4b:s8+s4], $0x80, v5, vm0, $0xb8;
	[tilespmem:$0x1B280] =	vst v63  }
0x3e: {  	s30 =	simm.s32 $0x2A80  }
0x3f: {  	[tilespmem:s30], [sflag:$0x1] =	stream.indirect_vreg.gather [hbm4b:s9+s4], $0x80, v5, vm0, $0xb8;
	[tilespmem:$0x1B280] =	vst v63  }
0x40: {  	v5 =	vld [tilespmem:$0x18];
	_ =	sdelay $0x4  }
0x41: {  	v6 =	vshrl.u32 v5, $0x3  }
0x42: {  	v6 =	vmul.u32 $0x30, v6  }
0x43: {  	v5 =	vand.u32 $0x7, v5  }
0x44: {  	v5 =	vor.u32 v5, v6  }
0x45: {  	v6 =	vperm.xlane v5, v2;
	_ =	sdelay $0x1  }
0x46: {  	v6 =	vadd.s32 v3, v6;
	_ =	sdelay $0x3  }
0x47: {  	s31 =	simm.s32 $0x3280;
	v5 =	vperm.xlane v5, v4  }
0x48: {  	[tilespmem:s31], [sflag:$0x1] =	stream.indirect_vreg.gather [hbm4b:s1+s4], $0x80, v6, vm0, $0xb8;
	[tilespmem:$0x1B280] =	vst v63  }
0x49: {  	s7 =	simm.s32 $0x3A80;
	v5 =	vadd.s32 v3, v5  }
0x4a: {  	[tilespmem:s7], [sflag:$0x1] =	stream.indirect_vreg.gather [hbm4b:s8+s4], $0x80, v6, vm0, $0xb8;
	[tilespmem:$0x1B280] =	vst v63  }
0x4b: {  	s10 =	simm.s32 $0x4280  }
0x4c: {  	[tilespmem:s10], [sflag:$0x1] =	stream.indirect_vreg.gather [hbm4b:s9+s4], $0x80, v6, vm0, $0xb8;
	[tilespmem:$0x1B280] =	vst v63  }
0x4d: {  	s11 =	simm.s32 $0x4A80  }
0x4e: {  	[tilespmem:s11], [sflag:$0x1] =	stream.indirect_vreg.gather [hbm4b:s1+s4], $0x80, v5, vm0, $0xb8;
	[tilespmem:$0x1B280] =	vst v63  }
0x4f: {  	s12 =	simm.s32 $0x5280  }
0x50: {  	[tilespmem:s12], [sflag:$0x1] =	stream.indirect_vreg.gather [hbm4b:s8+s4], $0x80, v5, vm0, $0xb8;
	[tilespmem:$0x1B280] =	vst v63  }
0x51: {  	s13 =	simm.s32 $0x5A80  }
0x52: {  	[tilespmem:s13], [sflag:$0x1] =	stream.indirect_vreg.gather [hbm4b:s9+s4], $0x80, v5, vm0, $0xb8;
	[tilespmem:$0x1B280] =	vst v63  }
0x53: {  	v5 =	vld [tilespmem:$0x28];
	_ =	sdelay $0x4  }
0x54: {  	v6 =	vshrl.u32 v5, $0x3  }
0x55: {  	v6 =	vmul.u32 $0x30, v6  }
0x56: {  	v5 =	vand.u32 $0x7, v5  }
0x57: {  	v5 =	vor.u32 v5, v6  }
0x58: {  	v6 =	vperm.xlane v5, v2;
	_ =	sdelay $0x1  }
0x59: {  	v6 =	vadd.s32 v3, v6;
	_ =	sdelay $0x3  }
0x5a: {  	s14 =	simm.s32 $0x6280;
	v5 =	vperm.xlane v5, v4  }
0x5b: {  	[tilespmem:s14], [sflag:$0x2] =	stream.indirect_vreg.gather [hbm4b:s1+s4], $0x80, v6, vm0, $0xb8;
	[tilespmem:$0x1B280] =	vst v63  }
0x5c: {  	s15 =	simm.s32 $0x6A80;
	v5 =	vadd.s32 v3, v5  }
0x5d: {  	[tilespmem:s15], [sflag:$0x2] =	stream.indirect_vreg.gather [hbm4b:s8+s4], $0x80, v6, vm0, $0xb8;
	[tilespmem:$0x1B280] =	vst v63  }
0x5e: {  	s16 =	simm.s32 $0x7280  }
0x5f: {  	[tilespmem:s16], [sflag:$0x2] =	stream.indirect_vreg.gather [hbm4b:s9+s4], $0x80, v6, vm0, $0xb8;
	[tilespmem:$0x1B280] =	vst v63  }
0x60: {  	s17 =	simm.s32 $0x7A80  }
0x61: {  	[tilespmem:s17], [sflag:$0x2] =	stream.indirect_vreg.gather [hbm4b:s1+s4], $0x80, v5, vm0, $0xb8;
	[tilespmem:$0x1B280] =	vst v63  }
0x62: {  	s19 =	simm.s32 $0x8280  }
0x63: {  	[tilespmem:s19], [sflag:$0x2] =	stream.indirect_vreg.gather [hbm4b:s8+s4], $0x80, v5, vm0, $0xb8;
	[tilespmem:$0x1B280] =	vst v63  }
0x64: {  	s24 =	simm.s32 $0x8A80  }
0x65: {  	[tilespmem:s24], [sflag:$0x2] =	stream.indirect_vreg.gather [hbm4b:s9+s4], $0x80, v5, vm0, $0xb8;
	[tilespmem:$0x1B280] =	vst v63  }
0x66: {  	v5 =	vld [tilespmem:$0x38];
	_ =	sdelay $0x4  }
0x67: {  	v6 =	vshrl.u32 v5, $0x3  }
0x68: {  	v6 =	vmul.u32 $0x30, v6  }
0x69: {  	v5 =	vand.u32 $0x7, v5  }
0x6a: {  	v5 =	vor.u32 v5, v6  }
0x6b: {  	v6 =	vperm.xlane v5, v2;
	_ =	sdelay $0x1  }
0x6c: {  	v6 =	vadd.s32 v3, v6;
	_ =	sdelay $0x3  }
0x6d: {  	s25 =	simm.s32 $0x9280;
	v5 =	vperm.xlane v5, v4  }
0x6e: {  	[tilespmem:s25], [sflag:$0x2] =	stream.indirect_vreg.gather [hbm4b:s1+s4], $0x80, v6, vm0, $0xb8;
	[tilespmem:$0x1B280] =	vst v63  }
0x6f: {  	s26 =	simm.s32 $0x9A80;
	v5 =	vadd.s32 v3, v5  }
0x70: {  	[tilespmem:s26], [sflag:$0x2] =	stream.indirect_vreg.gather [hbm4b:s8+s4], $0x80, v6, vm0, $0xb8;
	[tilespmem:$0x1B280] =	vst v63  }
0x71: {  	s28 =	simm.s32 $0xA280  }
0x72: {  	[tilespmem:s28], [sflag:$0x2] =	stream.indirect_vreg.gather [hbm4b:s9+s4], $0x80, v6, vm0, $0xb8;
	[tilespmem:$0x1B280] =	vst v63  }
0x73: {  	s29 =	simm.s32 $0xAA80  }
0x74: {  	[tilespmem:s29], [sflag:$0x2] =	stream.indirect_vreg.gather [hbm4b:s1+s4], $0x80, v5, vm0, $0xb8;
	[tilespmem:$0x1B280] =	vst v63  }
.Ltmp2:
0x75: {  	_ = 	snop;
	(pc) =	sbr.rel .LBB2_2-.Ltmp2, $4  }
0x76: {  	s30 =	simm.s32 $0xB280  }
0x77: {  	[tilespmem:s30], [sflag:$0x2] =	stream.indirect_vreg.gather [hbm4b:s8+s4], $0x80, v5, vm0, $0xb8;
	[tilespmem:$0x1B280] =	vst v63  }
0x78: {  	s31 =	simm.s32 $0xBA80;
	s13 =	simm.s32 $0x0  }
0x79: {  	[tilespmem:s31], [sflag:$0x2] =	stream.indirect_vreg.gather [hbm4b:s9+s4], $0x80, v5, vm0, $0xb8;
	[tilespmem:$0x1B280] =	vst v63  }
.LBB2_30:
0x7a: {  	s13 =	sadd.s32 $0x1, s13  }
0x7b: {  	s6 =	sor.u32 s5, s24;
	p1 =	sne.s32 s13, $0x4  }
.Ltmp3:
0x7c: {  	s6 =	sshrl.u32 s6, $0x3;
	(pc) =	sbr.rel @!p1 .LBB2_31-.Ltmp3, $3  }
0x7d: {  	s6 =	smul.u32 $0x300, s6;
	_ =	sdelay $0x1  }
0x7e: {  	s6 =	sadd.s32 s3, s6  }
0x7f: {  	[hbm4b:s6+s4] =	stream.linear.scatter [tilespmem:s2], [sflag:$0x8], $0x6000, $0x38;
	[tilespmem:$0x1B280] =	vst v63  }
.LBB2_2:
0x80: {  	p1 =	seq.s32 s13, $0x0  }
0x81: {  	s24 =	sshll.u32 s13, $0x2;
	s6 =	simm.s32 @!p1 $0x7  }
0x82: {  	s7 =	sor.u32 $0x2, s24;
	_ =	swait.ge @!p1 [sflag:s6], $0x6000  }
0x83: {  	s26 =	sshll.u32 s7, $0x5;
	[sflag:s6] =	ssyncset.done @!p1 $0x0  }
0x84: {  	s30 =	sand.u32 $0x3FFFFFE0, s26;
	[sflag:s6] =	ssyncadd.s32 @!p1 $0xFFFFA000  }
0x85: {  	v5 =	vld [tilespmem:s30+$0x8];
	_ =	sdelay $0x4  }
0x86: {  	v6 =	vshrl.u32 v5, $0x3  }
0x87: {  	v6 =	vmul.u32 $0x30, v6  }
0x88: {  	v5 =	vand.u32 $0x7, v5  }
0x89: {  	v5 =	vor.u32 v5, v6  }
0x8a: {  	v6 =	vperm.xlane v5, v2;
	_ =	sdelay $0x1  }
0x8b: {  	v6 =	vadd.s32 v3, v6;
	_ =	sdelay $0x3  }
0x8c: {  	v5 =	vperm.xlane v5, v4  }
0x8d: {  	[tilespmem:s18], [sflag:$0x3] =	stream.indirect_vreg.gather [hbm4b:s1+s4], $0x80, v6, vm0, $0xb8;
	[tilespmem:$0x1B280] =	vst v63  }
0x8e: {  	s31 =	simm.s32 $0xCA80;
	v5 =	vadd.s32 v3, v5  }
0x8f: {  	[tilespmem:s31], [sflag:$0x3] =	stream.indirect_vreg.gather [hbm4b:s8+s4], $0x80, v6, vm0, $0xb8;
	[tilespmem:$0x1B280] =	vst v63  }
0x90: {  	s10 =	simm.s32 $0xD280  }
0x91: {  	[tilespmem:s10], [sflag:$0x3] =	stream.indirect_vreg.gather [hbm4b:s9+s4], $0x80, v6, vm0, $0xb8;
	[tilespmem:$0x1B280] =	vst v63  }
0x92: {  	s11 =	simm.s32 $0xDA80  }
0x93: {  	[tilespmem:s11], [sflag:$0x3] =	stream.indirect_vreg.gather [hbm4b:s1+s4], $0x80, v5, vm0, $0xb8;
	[tilespmem:$0x1B280] =	vst v63  }
0x94: {  	s12 =	simm.s32 $0xE280  }
0x95: {  	[tilespmem:s12], [sflag:$0x3] =	stream.indirect_vreg.gather [hbm4b:s8+s4], $0x80, v5, vm0, $0xb8;
	[tilespmem:$0x1B280] =	vst v63  }
0x96: {  	s14 =	simm.s32 $0xEA80  }
0x97: {  	[tilespmem:s14], [sflag:$0x3] =	stream.indirect_vreg.gather [hbm4b:s9+s4], $0x80, v5, vm0, $0xb8;
	[tilespmem:$0x1B280] =	vst v63  }
0x98: {  	v5 =	vld [tilespmem:s30+$0x18];
	_ =	sdelay $0x4  }
0x99: {  	v6 =	vshrl.u32 v5, $0x3  }
0x9a: {  	v6 =	vmul.u32 $0x30, v6  }
0x9b: {  	v5 =	vand.u32 $0x7, v5  }
0x9c: {  	v5 =	vor.u32 v5, v6  }
0x9d: {  	v6 =	vperm.xlane v5, v2;
	_ =	sdelay $0x1  }
0x9e: {  	v6 =	vadd.s32 v3, v6;
	_ =	sdelay $0x3  }
0x9f: {  	s15 =	simm.s32 $0xF280;
	v5 =	vperm.xlane v5, v4  }
0xa0: {  	[tilespmem:s15], [sflag:$0x3] =	stream.indirect_vreg.gather [hbm4b:s1+s4], $0x80, v6, vm0, $0xb8;
	[tilespmem:$0x1B280] =	vst v63  }
0xa1: {  	s16 =	simm.s32 $0xFA80;
	v5 =	vadd.s32 v3, v5  }
0xa2: {  	[tilespmem:s16], [sflag:$0x3] =	stream.indirect_vreg.gather [hbm4b:s8+s4], $0x80, v6, vm0, $0xb8;
	[tilespmem:$0x1B280] =	vst v63  }
0xa3: {  	s17 =	simm.s32 $0x10280  }
0xa4: {  	[tilespmem:s17], [sflag:$0x3] =	stream.indirect_vreg.gather [hbm4b:s9+s4], $0x80, v6, vm0, $0xb8;
	[tilespmem:$0x1B280] =	vst v63  }
0xa5: {  	s19 =	simm.s32 $0x10A80  }
0xa6: {  	[tilespmem:s19], [sflag:$0x3] =	stream.indirect_vreg.gather [hbm4b:s1+s4], $0x80, v5, vm0, $0xb8;
	[tilespmem:$0x1B280] =	vst v63  }
0xa7: {  	s25 =	simm.s32 $0x11280  }
0xa8: {  	[tilespmem:s25], [sflag:$0x3] =	stream.indirect_vreg.gather [hbm4b:s8+s4], $0x80, v5, vm0, $0xb8;
	[tilespmem:$0x1B280] =	vst v63  }
0xa9: {  	s30 =	simm.s32 $0x11A80  }
0xaa: {  	[tilespmem:s30], [sflag:$0x3] =	stream.indirect_vreg.gather [hbm4b:s9+s4], $0x80, v5, vm0, $0xb8;
	[tilespmem:$0x1B280] =	vst v63  }
0xab: {  	_ =	swait.ge [sflag:s0], $0x6000  }
0xac: {  	s29 =	sshll.u32 s13, $0x7;
	[sflag:s0] =	ssyncset.done $0x0  }
0xad: {  	s28 =	sand.u32 $0x3FFFFF80, s29;
	[sflag:s0] =	ssyncadd.s32 $0xFFFFA000  }
0xae: {  	v5 =	vld [tilespmem:s28+$0x4]  }
0xaf: {  	v6 =	vld [tilespmem:s28+$0x14]  }
0xb0: {  	v7 =	vld [tilespmem:s28+$0x24];
	_ =	sdelay $0x3  }
0xb1: {  	vm1 =	veq.s32 v5, $0x5;
	vm2 =	veq.s32 v6, $0x5  }
0xb2: {  	vm1 =	vmor vm1, vm2;
	vm2 =	veq.s32 v7, $0x5  }
0xb3: {  	vm1 =	vmor vm1, vm2  }
0xb4: {  	v5 =	vmpcnt.ones.xlane vm1;
	_ =	sdelay $0x1  }
0xb5: {  	(v2sf) =	vpush v5, $0x0;
	_ =	sdelay $0xe  }
0xb6: {  	s31 =	spop (v2sf)  }
0xb7: {  	p2 =	slt.s32 s31, $0x1  }
.Ltmp4:
0xb8: {  	_ = 	snop;
	(pc) =	sbr.rel @p2 .LBB2_9-.Ltmp4, $1  }
0xb9: {  	_ =	sdelay $0x3  }
.Ltmp5:
0xba: {  	(pc) =	sbr.rel .LBB2_4-.Ltmp5, $3  }
0xbb: {  	_ =	sdelay $0x1  }
0xbc: {  	s30 =	sadd.s32 $0xFFFFFFFC, s29  }
0xbd: {  	s31 =	sor.u32 $0x1F, s29;
	s14 =	simm.s32 $0x0;
	v5 =	vmov s30  }
.LBB2_8:
0xbe: {  	s14 =	sadd.s32 $0x1, s14  }
0xbf: {  	p2 =	sne.s32 s14, $0x23  }
.Ltmp6:
0xc0: {  	_ = 	snop;
	(pc) =	sbr.rel @!p2 .LBB2_9-.Ltmp6, $1  }
0xc1: {  	_ =	sdelay $0x3  }
.LBB2_4:
0xc2: {  	_ =	sdelay $0x3  }
0xc3: {  	v6 =	vld.idx.msk [tilespmem:v5+s14+$0x8 ss:$0x1], $0xffff;
	_ =	sdelay $0x4  }
0xc4: {  	(v2sf) =	vpush v6, $0x0  }
0xc5: {  	(v2sf) =	vpush v6, $0x1;
	_ =	sdelay $0xd  }
0xc6: {  	s6 =	spop (v2sf)  }
0xc7: {  	s7 =	spop (v2sf)  }
0xc8: {  	p2 =	sne.s32 s7, $0x5  }
0xc9: {  	p3 =	seq.s32 @!p2 s6, $0x5  }
0xca: {  	p2 =	por p2, p3  }
0xcb: {  	v6 =	vbroadcast @!p2 v6, $0x0;
	_ =	sdelay $0x1  }
0xcc: {  	v7 =	vshrl.u32 @!p2 v6, $0x3  }
0xcd: {  	v7 =	vmul.u32 @!p2 $0x30, v7  }
0xce: {  	v8 =	vlaneseq.u32 @!p2;
	v6 =	vand.u32 @!p2 $0x7, v6  }
0xcf: {  	v9 =	vshrl.u32 @!p2 v8, $0x3;
	v6 =	vor.u32 @!p2 v6, v7;
	v7 =	vand.u32 @!p2 $0x7, v8  }
0xd0: {  	v9 =	vmul.u32 @!p2 $0x8, v9;
	v7 =	vperm.xlane @!p2 v6, v7;
	_ =	sdelay $0x1  }
0xd1: {  	v7 =	vadd.s32 @!p2 v9, v7;
	_ =	sdelay $0x2  }
0xd2: {  	s15 =	sadd.s32 s14, s30;
	s6 =	simm.s32 @!p2 $0x0;
	v8 =	vor.u32 @!p2 $0x8, v8  }
0xd3: {  	vm1 =	vmmov @!p2 $0xffff;
	s7 =	simm.s32 @!p2 $0x18280;
	s25 =	ssub.s32 @!p2 s29, s15;
	s16 =	ssub.s32 @!p2 s31, s15;
	v6 =	vperm.xlane @!p2 v6, v8  }
0xd4: {  	[tilespmem:s7], [sflag:$0x9] =	stream.indirect_vreg.gather @!p2 [hbm4b:s1+s6], $0x80, v7, vm1, $0xb8;
	[tilespmem:$0x1B280] =	vst v63  }
0xd5: {  	p3 =	sgt.s32 @!p2 s25, $0x1;
	p4 =	slt.s32 @!p2 s16, $0x4;
	v6 =	vadd.s32 @!p2 v9, v6;
	s7 =	simm.s32 @!p2 $0x18A80  }
0xd6: {  	[tilespmem:s7], [sflag:$0x9] =	stream.indirect_vreg.gather @!p2 [hbm4b:s8+s6], $0x80, v7, vm1, $0xb8;
	[tilespmem:$0x1B280] =	vst v63  }
0xd7: {  	p3 =	por !p3, p2;
	p4 =	por !p4, p2;
	s7 =	simm.s32 @!p2 $0x19280  }
0xd8: {  	[tilespmem:s7], [sflag:$0x9] =	stream.indirect_vreg.gather @!p2 [hbm4b:s9+s6], $0x80, v7, vm1, $0xb8;
	[tilespmem:$0x1B280] =	vst v63  }
0xd9: {  	s25 =	simm.s32 @p3 $0x1;
	s16 =	simm.s32 @p4 $0x4;
	s7 =	simm.s32 @!p2 $0x19A80  }
0xda: {  	[tilespmem:s7], [sflag:$0x9] =	stream.indirect_vreg.gather @!p2 [hbm4b:s1+s6], $0x80, v6, vm1, $0xb8;
	[tilespmem:$0x1B280] =	vst v63  }
0xdb: {  	p3 =	sgt.s32 @!p2 s25, s16;
	s7 =	simm.s32 @!p2 $0x1A280  }
0xdc: {  	[tilespmem:s7], [sflag:$0x9] =	stream.indirect_vreg.gather @!p2 [hbm4b:s8+s6], $0x80, v6, vm1, $0xb8;
	[tilespmem:$0x1B280] =	vst v63  }
0xdd: {  	p3 =	por p2, p3;
	s7 =	simm.s32 @!p2 $0x1AA80  }
0xde: {  	[tilespmem:s7], [sflag:$0x9] =	stream.indirect_vreg.gather @!p2 [hbm4b:s9+s6], $0x80, v6, vm1, $0xb8;
	[tilespmem:$0x1B280] =	vst v63  }
.Ltmp7:
0xdf: {  	_ = 	snop;
	(pc) =	sbr.rel @p3 .LBB2_8-.Ltmp7, $4  }
0xe0: {  	s6 =	simm.s32 @!p2 $0x9  }
0xe1: {  	_ =	swait.ge @!p2 [sflag:s6], $0x3000  }
0xe2: {  	[sflag:s6] =	ssyncset.done @!p2 $0x0  }
0xe3: {  	[sflag:s6] =	ssyncadd.s32 @!p2 $0xFFFFD000  }
.LBB2_5:
0xe4: {  	s6 =	sadd.s32 s15, s25  }
0xe5: {  	s7 =	ssub.s32 s6, s29  }
0xe6: {  	s7 =	sshrl.u32 s7, $0x3  }
0xe7: {  	s7 =	smul.u32 $0x6000, s7  }
0xe8: {  	s6 =	sshll.u32 s6, $0x7  }
0xe9: {  	s6 =	sand.u32 $0x380, s6;
	s7 =	sshra.s32 s7, $0x2  }
0xea: {  	s11 =	simm.s32 $0x0;
	s6 =	sor.u32 s6, s7  }
0xeb: {  	s12 =	sand.u32 $0x70, s11;
	s7 =	sand.u32 $0x1C00, s11;
	s17 =	sadd.s32 $0x280, s6  }
0xec: {  	s10 =	sadd.s32 s7, s17;
	s7 =	sor.u32 s12, s7  }
0xed: {  	s6 =	sadd.s32 s12, s10;
	v6 =	vld [tilespmem:s7+$0x18280]  }
0xee: {  	v7 =	vld [tilespmem:s6+$0x0];
	_ =	sdelay $0x4  }
0xef: {  	s19 =	simm.s32 $0x10;
	s7 =	simm.s32 $0x80;
	v6 =	vadd.f32 v6, v7  }
0xf0: {  	s12 =	sand.u32 $0x70, s19;
	s10 =	simm.s32 $0x20;
	s11 =	sand.u32 $0x1C00, s7  }
.LBB2_6:
0xf1: {  	p2 =	sne.s32 s10, $0x2F0;
	s19 =	sadd.s32 s11, s17;
	s11 =	sor.u32 s12, s11;
	[tilespmem:s6+$0x0] =	vst v6  }
0xf2: {  	s6 =	sadd.s32 s12, s19;
	v6 =	vld [tilespmem:s11+$0x18280]  }
0xf3: {  	v7 =	vld [tilespmem:s6+$0x0];
	_ =	sdelay $0x1  }
.Ltmp8:
0xf4: {  	(pc) =	sbr.rel @p2 .LBB2_6-.Ltmp8, $3  }
0xf5: {  	_ =	sdelay $0x1  }
0xf6: {  	s7 =	sadd.s32 $0x80, s7;
	v6 =	vadd.f32 v6, v7  }
0xf7: {  	s12 =	sand.u32 $0x70, s10;
	s11 =	sand.u32 $0x1C00, s7;
	s10 =	sadd.s32 $0x10, s10  }
0xf8: {  	s7 =	sadd.s32 s11, s17;
	s10 =	sor.u32 s12, s11;
	[tilespmem:s6+$0x0] =	vst v6  }
0xf9: {  	s17 =	sadd.s32 s12, s7;
	v6 =	vld [tilespmem:s10+$0x18280]  }
0xfa: {  	v7 =	vld [tilespmem:s17+$0x0];
	_ =	sdelay $0x1  }
0xfb: {  	p2 =	slt.u32 s25, s16  }
.Ltmp9:
0xfc: {  	_ = 	snop;
	(pc) =	sbr.rel @p2 .LBB2_5-.Ltmp9, $4  }
.Ltmp10:
0xfd: {  	_ = 	snop;
	(pc) =	sbr.rel @!p2 .LBB2_8-.Ltmp10, $4  }
0xfe: {  	v6 =	vadd.f32 v6, v7  }
0xff: {  	s19 =	sadd.s32 $0x1, s25  }
0x100: {  	s25 =	smov.u32 s19;
	[tilespmem:s17+$0x0] =	vst v6  }
0x101: {  	_ = 	snop  }
.LBB2_9:
0x102: {  	s6 =	sor.u32 s5, s29  }
0x103: {  	s6 =	sshrl.u32 s6, $0x3  }
0x104: {  	s6 =	smul.u32 $0x300, s6;
	_ =	sdelay $0x1  }
0x105: {  	s7 =	simm.s32 $0x280;
	s6 =	sadd.s32 s3, s6  }
0x106: {  	[hbm4b:s6+s4] =	stream.linear.scatter [tilespmem:s7], [sflag:$0x5], $0x6000, $0x38;
	[tilespmem:$0x1B280] =	vst v63  }
0x107: {  	s6 =	simm.s32 @!p1 $0x8  }
0x108: {  	s24 =	sor.u32 $0x3, s24;
	_ =	swait.ge @!p1 [sflag:s6], $0x6000  }
0x109: {  	s24 =	sshll.u32 s24, $0x5;
	[sflag:s6] =	ssyncset.done @!p1 $0x0  }
0x10a: {  	s25 =	sand.u32 $0x3FFFFFE0, s24;
	[sflag:s6] =	ssyncadd.s32 @!p1 $0xFFFFA000  }
0x10b: {  	v5 =	vld [tilespmem:s25+$0x8];
	_ =	sdelay $0x4  }
0x10c: {  	v6 =	vshrl.u32 v5, $0x3  }
0x10d: {  	v6 =	vmul.u32 $0x30, v6  }
0x10e: {  	v5 =	vand.u32 $0x7, v5  }
0x10f: {  	v5 =	vor.u32 v5, v6  }
0x110: {  	v6 =	vperm.xlane v5, v2;
	_ =	sdelay $0x1  }
0x111: {  	v6 =	vadd.s32 v3, v6;
	_ =	sdelay $0x3  }
0x112: {  	v5 =	vperm.xlane v5, v4  }
0x113: {  	[tilespmem:s2], [sflag:$0x4] =	stream.indirect_vreg.gather [hbm4b:s1+s4], $0x80, v6, vm0, $0xb8;
	[tilespmem:$0x1B280] =	vst v63  }
0x114: {  	s31 =	simm.s32 $0x12A80;
	v5 =	vadd.s32 v3, v5  }
0x115: {  	[tilespmem:s31], [sflag:$0x4] =	stream.indirect_vreg.gather [hbm4b:s8+s4], $0x80, v6, vm0, $0xb8;
	[tilespmem:$0x1B280] =	vst v63  }
0x116: {  	s10 =	simm.s32 $0x13280  }
0x117: {  	[tilespmem:s10], [sflag:$0x4] =	stream.indirect_vreg.gather [hbm4b:s9+s4], $0x80, v6, vm0, $0xb8;
	[tilespmem:$0x1B280] =	vst v63  }
0x118: {  	s11 =	simm.s32 $0x13A80  }
0x119: {  	[tilespmem:s11], [sflag:$0x4] =	stream.indirect_vreg.gather [hbm4b:s1+s4], $0x80, v5, vm0, $0xb8;
	[tilespmem:$0x1B280] =	vst v63  }
0x11a: {  	s12 =	simm.s32 $0x14280  }
0x11b: {  	[tilespmem:s12], [sflag:$0x4] =	stream.indirect_vreg.gather [hbm4b:s8+s4], $0x80, v5, vm0, $0xb8;
	[tilespmem:$0x1B280] =	vst v63  }
0x11c: {  	s14 =	simm.s32 $0x14A80  }
0x11d: {  	[tilespmem:s14], [sflag:$0x4] =	stream.indirect_vreg.gather [hbm4b:s9+s4], $0x80, v5, vm0, $0xb8;
	[tilespmem:$0x1B280] =	vst v63  }
0x11e: {  	v5 =	vld [tilespmem:s25+$0x18];
	_ =	sdelay $0x4  }
0x11f: {  	v6 =	vshrl.u32 v5, $0x3  }
0x120: {  	v6 =	vmul.u32 $0x30, v6  }
0x121: {  	v5 =	vand.u32 $0x7, v5  }
0x122: {  	v5 =	vor.u32 v5, v6  }
0x123: {  	v6 =	vperm.xlane v5, v2;
	_ =	sdelay $0x1  }
0x124: {  	v6 =	vadd.s32 v3, v6;
	_ =	sdelay $0x3  }
0x125: {  	s15 =	simm.s32 $0x15280;
	v5 =	vperm.xlane v5, v4  }
0x126: {  	[tilespmem:s15], [sflag:$0x4] =	stream.indirect_vreg.gather [hbm4b:s1+s4], $0x80, v6, vm0, $0xb8;
	[tilespmem:$0x1B280] =	vst v63  }
0x127: {  	s16 =	simm.s32 $0x15A80;
	v5 =	vadd.s32 v3, v5  }
0x128: {  	[tilespmem:s16], [sflag:$0x4] =	stream.indirect_vreg.gather [hbm4b:s8+s4], $0x80, v6, vm0, $0xb8;
	[tilespmem:$0x1B280] =	vst v63  }
0x129: {  	s17 =	simm.s32 $0x16280  }
0x12a: {  	[tilespmem:s17], [sflag:$0x4] =	stream.indirect_vreg.gather [hbm4b:s9+s4], $0x80, v6, vm0, $0xb8;
	[tilespmem:$0x1B280] =	vst v63  }
0x12b: {  	s19 =	simm.s32 $0x16A80  }
0x12c: {  	[tilespmem:s19], [sflag:$0x4] =	stream.indirect_vreg.gather [hbm4b:s1+s4], $0x80, v5, vm0, $0xb8;
	[tilespmem:$0x1B280] =	vst v63  }
0x12d: {  	s25 =	simm.s32 $0x17280  }
0x12e: {  	[tilespmem:s25], [sflag:$0x4] =	stream.indirect_vreg.gather [hbm4b:s8+s4], $0x80, v5, vm0, $0xb8;
	[tilespmem:$0x1B280] =	vst v63  }
0x12f: {  	_ = 	snop  }
0x130: {  	[tilespmem:s20], [sflag:$0x4] =	stream.indirect_vreg.gather [hbm4b:s9+s4], $0x80, v5, vm0, $0xb8;
	[tilespmem:$0x1B280] =	vst v63  }
0x131: {  	_ =	swait.ge [sflag:s21], $0x6000  }
0x132: {  	[sflag:s21] =	ssyncset.done $0x0  }
0x133: {  	[sflag:s21] =	ssyncadd.s32 $0xFFFFA000  }
0x134: {  	v5 =	vld [tilespmem:s28+$0x24]  }
0x135: {  	v6 =	vld [tilespmem:s28+$0x34]  }
0x136: {  	v7 =	vld [tilespmem:s28+$0x44];
	_ =	sdelay $0x3  }
0x137: {  	vm1 =	veq.s32 v5, $0x5;
	vm2 =	veq.s32 v6, $0x5  }
0x138: {  	vm1 =	vmor vm1, vm2;
	vm2 =	veq.s32 v7, $0x5  }
0x139: {  	vm1 =	vmor vm1, vm2  }
0x13a: {  	v5 =	vmpcnt.ones.xlane vm1;
	_ =	sdelay $0x1  }
0x13b: {  	(v2sf) =	vpush v5, $0x0;
	_ =	sdelay $0xe  }
0x13c: {  	s31 =	spop (v2sf)  }
0x13d: {  	p1 =	slt.s32 s31, $0x1  }
.Ltmp11:
0x13e: {  	_ = 	snop;
	(pc) =	sbr.rel @p1 .LBB2_16-.Ltmp11, $2  }
0x13f: {  	_ =	sdelay $0x2  }
0x140: {  	s30 =	sor.u32 $0x20, s29  }
.Ltmp12:
0x141: {  	(pc) =	sbr.rel .LBB2_11-.Ltmp12, $3  }
0x142: {  	_ =	sdelay $0x1  }
0x143: {  	s31 =	sor.u32 $0x1C, s29  }
0x144: {  	s29 =	sor.u32 $0x3F, s29;
	s14 =	simm.s32 $0x0;
	v5 =	vmov s31  }
.LBB2_15:
0x145: {  	s14 =	sadd.s32 $0x1, s14  }
0x146: {  	p1 =	sne.s32 s14, $0x23  }
.Ltmp13:
0x147: {  	_ = 	snop;
	(pc) =	sbr.rel @!p1 .LBB2_16-.Ltmp13, $1  }
0x148: {  	_ =	sdelay $0x3  }
.LBB2_11:
0x149: {  	_ =	sdelay $0x3  }
0x14a: {  	v6 =	vld.idx.msk [tilespmem:v5+s14+$0x8 ss:$0x1], $0xffff;
	_ =	sdelay $0x4  }
0x14b: {  	(v2sf) =	vpush v6, $0x0  }
0x14c: {  	(v2sf) =	vpush v6, $0x1;
	_ =	sdelay $0xd  }
0x14d: {  	s6 =	spop (v2sf)  }
0x14e: {  	s7 =	spop (v2sf)  }
0x14f: {  	p1 =	sne.s32 s7, $0x5  }
0x150: {  	p2 =	seq.s32 @!p1 s6, $0x5  }
0x151: {  	p1 =	por p1, p2  }
0x152: {  	v6 =	vbroadcast @!p1 v6, $0x0;
	_ =	sdelay $0x1  }
0x153: {  	v7 =	vshrl.u32 @!p1 v6, $0x3  }
0x154: {  	v7 =	vmul.u32 @!p1 $0x30, v7  }
0x155: {  	v8 =	vlaneseq.u32 @!p1;
	v6 =	vand.u32 @!p1 $0x7, v6  }
0x156: {  	v9 =	vshrl.u32 @!p1 v8, $0x3;
	v6 =	vor.u32 @!p1 v6, v7;
	v7 =	vand.u32 @!p1 $0x7, v8  }
0x157: {  	v9 =	vmul.u32 @!p1 $0x8, v9;
	v7 =	vperm.xlane @!p1 v6, v7;
	_ =	sdelay $0x1  }
0x158: {  	v7 =	vadd.s32 @!p1 v9, v7;
	_ =	sdelay $0x2  }
0x159: {  	s15 =	sadd.s32 s31, s14;
	s6 =	simm.s32 @!p1 $0x0;
	v8 =	vor.u32 @!p1 $0x8, v8  }
0x15a: {  	vm1 =	vmmov @!p1 $0xffff;
	s7 =	simm.s32 @!p1 $0x18280;
	s25 =	ssub.s32 @!p1 s30, s15;
	s16 =	ssub.s32 @!p1 s29, s15;
	v6 =	vperm.xlane @!p1 v6, v8  }
0x15b: {  	[tilespmem:s7], [sflag:$0x9] =	stream.indirect_vreg.gather @!p1 [hbm4b:s1+s6], $0x80, v7, vm1, $0xb8;
	[tilespmem:$0x1B280] =	vst v63  }
0x15c: {  	p2 =	sgt.s32 @!p1 s25, $0x1;
	p3 =	slt.s32 @!p1 s16, $0x4;
	v6 =	vadd.s32 @!p1 v9, v6;
	s7 =	simm.s32 @!p1 $0x18A80  }
0x15d: {  	[tilespmem:s7], [sflag:$0x9] =	stream.indirect_vreg.gather @!p1 [hbm4b:s8+s6], $0x80, v7, vm1, $0xb8;
	[tilespmem:$0x1B280] =	vst v63  }
0x15e: {  	p2 =	por !p2, p1;
	p3 =	por !p3, p1;
	s7 =	simm.s32 @!p1 $0x19280  }
0x15f: {  	[tilespmem:s7], [sflag:$0x9] =	stream.indirect_vreg.gather @!p1 [hbm4b:s9+s6], $0x80, v7, vm1, $0xb8;
	[tilespmem:$0x1B280] =	vst v63  }
0x160: {  	s25 =	simm.s32 @p2 $0x1;
	s16 =	simm.s32 @p3 $0x4;
	s7 =	simm.s32 @!p1 $0x19A80  }
0x161: {  	[tilespmem:s7], [sflag:$0x9] =	stream.indirect_vreg.gather @!p1 [hbm4b:s1+s6], $0x80, v6, vm1, $0xb8;
	[tilespmem:$0x1B280] =	vst v63  }
0x162: {  	p2 =	sgt.u32 @!p1 s25, s16;
	s7 =	simm.s32 @!p1 $0x1A280  }
0x163: {  	[tilespmem:s7], [sflag:$0x9] =	stream.indirect_vreg.gather @!p1 [hbm4b:s8+s6], $0x80, v6, vm1, $0xb8;
	[tilespmem:$0x1B280] =	vst v63  }
0x164: {  	p2 =	por p1, p2;
	s7 =	simm.s32 @!p1 $0x1AA80  }
0x165: {  	[tilespmem:s7], [sflag:$0x9] =	stream.indirect_vreg.gather @!p1 [hbm4b:s9+s6], $0x80, v6, vm1, $0xb8;
	[tilespmem:$0x1B280] =	vst v63  }
.Ltmp14:
0x166: {  	_ = 	snop;
	(pc) =	sbr.rel @p2 .LBB2_15-.Ltmp14, $4  }
0x167: {  	s6 =	simm.s32 @!p1 $0x9  }
0x168: {  	_ =	swait.ge @!p1 [sflag:s6], $0x3000  }
0x169: {  	[sflag:s6] =	ssyncset.done @!p1 $0x0  }
0x16a: {  	[sflag:s6] =	ssyncadd.s32 @!p1 $0xFFFFD000  }
.LBB2_12:
0x16b: {  	s6 =	sadd.s32 s15, s25  }
0x16c: {  	s7 =	ssub.s32 s6, s30  }
0x16d: {  	s7 =	sshrl.u32 s7, $0x3  }
0x16e: {  	s7 =	smul.u32 $0x6000, s7  }
0x16f: {  	s6 =	sshll.u32 s6, $0x7  }
0x170: {  	s6 =	sand.u32 $0x380, s6;
	s7 =	sshra.s32 s7, $0x2  }
0x171: {  	s11 =	simm.s32 $0x0;
	s6 =	sor.u32 s6, s7  }
0x172: {  	s12 =	sand.u32 $0x70, s11;
	s7 =	sand.u32 $0x1C00, s11;
	s17 =	sadd.s32 $0x6280, s6  }
0x173: {  	s10 =	sadd.s32 s7, s17;
	s7 =	sor.u32 s12, s7  }
0x174: {  	s6 =	sadd.s32 s12, s10;
	v6 =	vld [tilespmem:s7+$0x18280]  }
0x175: {  	v7 =	vld [tilespmem:s6+$0x0];
	_ =	sdelay $0x4  }
0x176: {  	s19 =	simm.s32 $0x10;
	s7 =	simm.s32 $0x80;
	v6 =	vadd.f32 v6, v7  }
0x177: {  	s12 =	sand.u32 $0x70, s19;
	s10 =	simm.s32 $0x20;
	s11 =	sand.u32 $0x1C00, s7  }
.LBB2_13:
0x178: {  	p1 =	sne.s32 s10, $0x2F0;
	s19 =	sadd.s32 s11, s17;
	s11 =	sor.u32 s12, s11;
	[tilespmem:s6+$0x0] =	vst v6  }
0x179: {  	s6 =	sadd.s32 s12, s19;
	v6 =	vld [tilespmem:s11+$0x18280]  }
0x17a: {  	v7 =	vld [tilespmem:s6+$0x0];
	_ =	sdelay $0x1  }
.Ltmp15:
0x17b: {  	(pc) =	sbr.rel @p1 .LBB2_13-.Ltmp15, $3  }
0x17c: {  	_ =	sdelay $0x1  }
0x17d: {  	s7 =	sadd.s32 $0x80, s7;
	v6 =	vadd.f32 v6, v7  }
0x17e: {  	s12 =	sand.u32 $0x70, s10;
	s11 =	sand.u32 $0x1C00, s7;
	s10 =	sadd.s32 $0x10, s10  }
0x17f: {  	s7 =	sadd.s32 s11, s17;
	s10 =	sor.u32 s12, s11;
	[tilespmem:s6+$0x0] =	vst v6  }
0x180: {  	s17 =	sadd.s32 s12, s7;
	v6 =	vld [tilespmem:s10+$0x18280]  }
0x181: {  	v7 =	vld [tilespmem:s17+$0x0];
	_ =	sdelay $0x1  }
0x182: {  	p1 =	slt.u32 s25, s16  }
.Ltmp16:
0x183: {  	_ = 	snop;
	(pc) =	sbr.rel @p1 .LBB2_12-.Ltmp16, $4  }
.Ltmp17:
0x184: {  	_ = 	snop;
	(pc) =	sbr.rel @!p1 .LBB2_15-.Ltmp17, $4  }
0x185: {  	v6 =	vadd.f32 v6, v7  }
0x186: {  	s19 =	sadd.s32 $0x1, s25  }
0x187: {  	s25 =	smov.u32 s19;
	[tilespmem:s17+$0x0] =	vst v6  }
0x188: {  	_ = 	snop  }
.LBB2_16:
0x189: {  	s6 =	sor.u32 s5, s30  }
0x18a: {  	s6 =	sshrl.u32 s6, $0x3  }
0x18b: {  	s6 =	smul.u32 $0x300, s6;
	_ =	sdelay $0x1  }
0x18c: {  	s7 =	simm.s32 $0x6280;
	p1 =	seq.s32 s13, $0x3;
	s6 =	sadd.s32 s3, s6  }
0x18d: {  	[hbm4b:s6+s4] =	stream.linear.scatter [tilespmem:s7], [sflag:$0x6], $0x6000, $0x38;
	[tilespmem:$0x1B280] =	vst v63  }
0x18e: {  	s6 =	simm.s32 @!p1 $0x5  }
0x18f: {  	_ =	swait.ge @!p1 [sflag:s6], $0x6000  }
0x190: {  	[sflag:s6] =	ssyncset.done @!p1 $0x0  }
0x191: {  	[sflag:s6] =	ssyncadd.s32 @!p1 $0xFFFFA000  }
0x192: {  	v5 =	vld @!p1 [tilespmem:s28+$0x88];
	_ =	sdelay $0x4  }
0x193: {  	v6 =	vshrl.u32 @!p1 v5, $0x3  }
0x194: {  	v6 =	vmul.u32 @!p1 $0x30, v6  }
0x195: {  	v7 =	vlaneseq.u32 @!p1;
	v5 =	vand.u32 @!p1 $0x7, v5  }
0x196: {  	v8 =	vor.u32 @!p1 v5, v6;
	v6 =	vand.u32 @!p1 $0x7, v7;
	v5 =	vshrl.u32 @!p1 v7, $0x3  }
0x197: {  	v9 =	vperm.xlane @!p1 v8, v6;
	v5 =	vmul.u32 @!p1 $0x8, v5;
	_ =	sdelay $0x1  }
0x198: {  	v9 =	vadd.s32 @!p1 v5, v9;
	_ =	sdelay $0x2  }
0x199: {  	v7 =	vor.u32 @!p1 $0x8, v7  }
0x19a: {  	vm1 =	vmmov @!p1 $0xffff;
	s29 =	simm.s32 @!p1 $0x0;
	s6 =	simm.s32 @!p1 $0x280;
	v8 =	vperm.xlane @!p1 v8, v7  }
0x19b: {  	[tilespmem:s6], [sflag:$0x1] =	stream.indirect_vreg.gather @!p1 [hbm4b:s1+s29], $0x80, v9, vm1, $0xb8;
	[tilespmem:$0x1B280] =	vst v63  }
0x19c: {  	v8 =	vadd.s32 @!p1 v5, v8;
	s6 =	simm.s32 @!p1 $0xA80  }
0x19d: {  	[tilespmem:s6], [sflag:$0x1] =	stream.indirect_vreg.gather @!p1 [hbm4b:s8+s29], $0x80, v9, vm1, $0xb8;
	[tilespmem:$0x1B280] =	vst v63  }
0x19e: {  	s6 =	simm.s32 @!p1 $0x1280  }
0x19f: {  	[tilespmem:s6], [sflag:$0x1] =	stream.indirect_vreg.gather @!p1 [hbm4b:s9+s29], $0x80, v9, vm1, $0xb8;
	[tilespmem:$0x1B280] =	vst v63  }
0x1a0: {  	s6 =	simm.s32 @!p1 $0x1A80  }
0x1a1: {  	[tilespmem:s6], [sflag:$0x1] =	stream.indirect_vreg.gather @!p1 [hbm4b:s1+s29], $0x80, v8, vm1, $0xb8;
	[tilespmem:$0x1B280] =	vst v63  }
0x1a2: {  	s6 =	simm.s32 @!p1 $0x2280  }
0x1a3: {  	[tilespmem:s6], [sflag:$0x1] =	stream.indirect_vreg.gather @!p1 [hbm4b:s8+s29], $0x80, v8, vm1, $0xb8;
	[tilespmem:$0x1B280] =	vst v63  }
0x1a4: {  	s6 =	simm.s32 @!p1 $0x2A80  }
0x1a5: {  	[tilespmem:s6], [sflag:$0x1] =	stream.indirect_vreg.gather @!p1 [hbm4b:s9+s29], $0x80, v8, vm1, $0xb8;
	[tilespmem:$0x1B280] =	vst v63  }
0x1a6: {  	v8 =	vld @!p1 [tilespmem:s28+$0x98];
	_ =	sdelay $0x4  }
0x1a7: {  	v9 =	vshrl.u32 @!p1 v8, $0x3  }
0x1a8: {  	v9 =	vmul.u32 @!p1 $0x30, v9  }
0x1a9: {  	v8 =	vand.u32 @!p1 $0x7, v8  }
0x1aa: {  	v8 =	vor.u32 @!p1 v8, v9  }
0x1ab: {  	v9 =	vperm.xlane @!p1 v8, v6;
	_ =	sdelay $0x1  }
0x1ac: {  	v9 =	vadd.s32 @!p1 v5, v9;
	_ =	sdelay $0x3  }
0x1ad: {  	s6 =	simm.s32 @!p1 $0x3280;
	v8 =	vperm.xlane @!p1 v8, v7  }
0x1ae: {  	[tilespmem:s6], [sflag:$0x1] =	stream.indirect_vreg.gather @!p1 [hbm4b:s1+s29], $0x80, v9, vm1, $0xb8;
	[tilespmem:$0x1B280] =	vst v63  }
0x1af: {  	v8 =	vadd.s32 @!p1 v5, v8;
	s6 =	simm.s32 @!p1 $0x3A80  }
0x1b0: {  	[tilespmem:s6], [sflag:$0x1] =	stream.indirect_vreg.gather @!p1 [hbm4b:s8+s29], $0x80, v9, vm1, $0xb8;
	[tilespmem:$0x1B280] =	vst v63  }
0x1b1: {  	s6 =	simm.s32 @!p1 $0x4280  }
0x1b2: {  	[tilespmem:s6], [sflag:$0x1] =	stream.indirect_vreg.gather @!p1 [hbm4b:s9+s29], $0x80, v9, vm1, $0xb8;
	[tilespmem:$0x1B280] =	vst v63  }
0x1b3: {  	s6 =	simm.s32 @!p1 $0x4A80  }
0x1b4: {  	[tilespmem:s6], [sflag:$0x1] =	stream.indirect_vreg.gather @!p1 [hbm4b:s1+s29], $0x80, v8, vm1, $0xb8;
	[tilespmem:$0x1B280] =	vst v63  }
0x1b5: {  	s6 =	simm.s32 @!p1 $0x5280  }
0x1b6: {  	[tilespmem:s6], [sflag:$0x1] =	stream.indirect_vreg.gather @!p1 [hbm4b:s8+s29], $0x80, v8, vm1, $0xb8;
	[tilespmem:$0x1B280] =	vst v63  }
0x1b7: {  	s6 =	simm.s32 @!p1 $0x5A80  }
0x1b8: {  	[tilespmem:s6], [sflag:$0x1] =	stream.indirect_vreg.gather @!p1 [hbm4b:s9+s29], $0x80, v8, vm1, $0xb8;
	[tilespmem:$0x1B280] =	vst v63  }
0x1b9: {  	_ =	swait.ge [sflag:s22], $0x6000  }
0x1ba: {  	[sflag:s22] =	ssyncset.done $0x0  }
0x1bb: {  	s19 =	sor.u32 $0x44, s26;
	[sflag:s22] =	ssyncadd.s32 $0xFFFFA000  }
0x1bc: {  	s25 =	sor.u32 $0x54, s26;
	v8 =	vld [tilespmem:s19+$0x0]  }
0x1bd: {  	s30 =	sor.u32 $0x64, s26;
	v63 =	vld [tilespmem:s25+$0x0]  }
0x1be: {  	v10 =	vld [tilespmem:s30+$0x0];
	_ =	sdelay $0x3  }
0x1bf: {  	vm2 =	veq.s32 v8, $0x5;
	vm3 =	veq.s32 v63, $0x5  }
0x1c0: {  	vm2 =	vmor vm2, vm3;
	vm3 =	veq.s32 v10, $0x5  }
0x1c1: {  	vm2 =	vmor vm2, vm3  }
0x1c2: {  	v8 =	vmpcnt.ones.xlane vm2;
	_ =	sdelay $0x1  }
0x1c3: {  	(v2sf) =	vpush v8, $0x0;
	_ =	sdelay $0xe  }
0x1c4: {  	s31 =	spop (v2sf)  }
0x1c5: {  	p2 =	slt.s32 s31, $0x1  }
.Ltmp18:
0x1c6: {  	_ = 	snop;
	(pc) =	sbr.rel @p2 .LBB2_23-.Ltmp18, $1  }
0x1c7: {  	_ =	sdelay $0x3  }
.Ltmp19:
0x1c8: {  	(pc) =	sbr.rel .LBB2_18-.Ltmp19, $3  }
0x1c9: {  	_ =	sdelay $0x1  }
0x1ca: {  	s30 =	sadd.s32 $0xFFFFFFFC, s26  }
0x1cb: {  	s14 =	sor.u32 $0x1F, s26;
	s31 =	simm.s32 $0x0;
	v8 =	vmov s30  }
.LBB2_22:
0x1cc: {  	s31 =	sadd.s32 $0x1, s31  }
0x1cd: {  	p2 =	sne.s32 s31, $0x23  }
.Ltmp20:
0x1ce: {  	_ = 	snop;
	(pc) =	sbr.rel @!p2 .LBB2_23-.Ltmp20, $1  }
0x1cf: {  	_ =	sdelay $0x3  }
.LBB2_18:
0x1d0: {  	_ =	sdelay $0x3  }
0x1d1: {  	v9 =	vld.idx.msk [tilespmem:v8+s31+$0x8 ss:$0x1], $0xffff;
	_ =	sdelay $0x4  }
0x1d2: {  	(v2sf) =	vpush v9, $0x0  }
0x1d3: {  	(v2sf) =	vpush v9, $0x1;
	_ =	sdelay $0xd  }
0x1d4: {  	s6 =	spop (v2sf)  }
0x1d5: {  	s7 =	spop (v2sf)  }
0x1d6: {  	p2 =	sne.s32 s7, $0x5  }
0x1d7: {  	p3 =	seq.s32 @!p2 s6, $0x5  }
0x1d8: {  	p2 =	por p2, p3  }
0x1d9: {  	v9 =	vbroadcast @!p2 v9, $0x0;
	_ =	sdelay $0x1  }
0x1da: {  	v10 =	vshrl.u32 @!p2 v9, $0x3  }
0x1db: {  	v10 =	vmul.u32 @!p2 $0x30, v10  }
0x1dc: {  	v11 =	vlaneseq.u32 @!p2;
	v9 =	vand.u32 @!p2 $0x7, v9  }
0x1dd: {  	v12 =	vshrl.u32 @!p2 v11, $0x3;
	v9 =	vor.u32 @!p2 v9, v10;
	v10 =	vand.u32 @!p2 $0x7, v11  }
0x1de: {  	v12 =	vmul.u32 @!p2 $0x8, v12;
	v10 =	vperm.xlane @!p2 v9, v10;
	_ =	sdelay $0x1  }
0x1df: {  	v10 =	vadd.s32 @!p2 v12, v10;
	_ =	sdelay $0x2  }
0x1e0: {  	v11 =	vor.u32 @!p2 $0x8, v11  }
0x1e1: {  	vm2 =	vmmov @!p2 $0xffff;
	s6 =	simm.s32 @!p2 $0x0;
	s7 =	simm.s32 @!p2 $0x18280;
	v9 =	vperm.xlane @!p2 v9, v11  }
0x1e2: {  	[tilespmem:s7], [sflag:$0x9] =	stream.indirect_vreg.gather @!p2 [hbm4b:s1+s6], $0x80, v10, vm2, $0xb8;
	[tilespmem:$0x1B280] =	vst v63  }
0x1e3: {  	v9 =	vadd.s32 @!p2 v12, v9;
	s7 =	simm.s32 @!p2 $0x18A80  }
0x1e4: {  	[tilespmem:s7], [sflag:$0x9] =	stream.indirect_vreg.gather @!p2 [hbm4b:s8+s6], $0x80, v10, vm2, $0xb8;
	[tilespmem:$0x1B280] =	vst v63  }
0x1e5: {  	s7 =	simm.s32 @!p2 $0x19280  }
0x1e6: {  	[tilespmem:s7], [sflag:$0x9] =	stream.indirect_vreg.gather @!p2 [hbm4b:s9+s6], $0x80, v10, vm2, $0xb8;
	[tilespmem:$0x1B280] =	vst v63  }
0x1e7: {  	s15 =	sadd.s32 s31, s30;
	s7 =	simm.s32 @!p2 $0x19A80  }
0x1e8: {  	[tilespmem:s7], [sflag:$0x9] =	stream.indirect_vreg.gather @!p2 [hbm4b:s1+s6], $0x80, v9, vm2, $0xb8;
	[tilespmem:$0x1B280] =	vst v63  }
0x1e9: {  	s16 =	ssub.s32 @!p2 s26, s15;
	s7 =	simm.s32 @!p2 $0x1A280  }
0x1ea: {  	[tilespmem:s7], [sflag:$0x9] =	stream.indirect_vreg.gather @!p2 [hbm4b:s8+s6], $0x80, v9, vm2, $0xb8;
	[tilespmem:$0x1B280] =	vst v63  }
0x1eb: {  	p3 =	sgt.s32 @!p2 s16, $0x1;
	s7 =	simm.s32 @!p2 $0x1AA80  }
0x1ec: {  	[tilespmem:s7], [sflag:$0x9] =	stream.indirect_vreg.gather @!p2 [hbm4b:s9+s6], $0x80, v9, vm2, $0xb8;
	[tilespmem:$0x1B280] =	vst v63  }
0x1ed: {  	p3 =	por !p3, p2;
	s6 =	ssub.s32 @!p2 s14, s15  }
0x1ee: {  	s16 =	simm.s32 @p3 $0x1;
	s25 =	smin.u32 @!p2 s6, $0x4  }
0x1ef: {  	p3 =	sgt.u32 @!p2 s16, s25  }
0x1f0: {  	p3 =	por p2, p3  }
.Ltmp21:
0x1f1: {  	_ = 	snop;
	(pc) =	sbr.rel @p3 .LBB2_22-.Ltmp21, $4  }
0x1f2: {  	s7 =	simm.s32 @!p2 $0x9  }
0x1f3: {  	_ =	swait.ge @!p2 [sflag:s7], $0x3000  }
0x1f4: {  	[sflag:s7] =	ssyncset.done @!p2 $0x0  }
0x1f5: {  	[sflag:s7] =	ssyncadd.s32 @!p2 $0xFFFFD000  }
.LBB2_19:
0x1f6: {  	s6 =	sadd.s32 s15, s16  }
0x1f7: {  	s7 =	ssub.s32 s6, s26  }
0x1f8: {  	s7 =	sshrl.u32 s7, $0x3  }
0x1f9: {  	s7 =	smul.u32 $0x6000, s7  }
0x1fa: {  	s6 =	sshll.u32 s6, $0x7  }
0x1fb: {  	s6 =	sand.u32 $0x380, s6;
	s7 =	sshra.s32 s7, $0x2  }
0x1fc: {  	s11 =	simm.s32 $0x0;
	s6 =	sor.u32 s6, s7  }
0x1fd: {  	s12 =	sand.u32 $0x70, s11;
	s7 =	sand.u32 $0x1C00, s11;
	s17 =	sadd.s32 $0xC280, s6  }
0x1fe: {  	s10 =	sadd.s32 s7, s17;
	s7 =	sor.u32 s12, s7  }
0x1ff: {  	s6 =	sadd.s32 s12, s10;
	v9 =	vld [tilespmem:s7+$0x18280]  }
0x200: {  	v10 =	vld [tilespmem:s6+$0x0];
	_ =	sdelay $0x4  }
0x201: {  	s19 =	simm.s32 $0x10;
	s7 =	simm.s32 $0x80;
	v9 =	vadd.f32 v9, v10  }
0x202: {  	s12 =	sand.u32 $0x70, s19;
	s10 =	simm.s32 $0x20;
	s11 =	sand.u32 $0x1C00, s7  }
.LBB2_20:
0x203: {  	p2 =	sne.s32 s10, $0x2F0;
	s19 =	sadd.s32 s11, s17;
	s11 =	sor.u32 s12, s11;
	[tilespmem:s6+$0x0] =	vst v9  }
0x204: {  	s6 =	sadd.s32 s12, s19;
	v9 =	vld [tilespmem:s11+$0x18280]  }
0x205: {  	v10 =	vld [tilespmem:s6+$0x0];
	_ =	sdelay $0x1  }
.Ltmp22:
0x206: {  	(pc) =	sbr.rel @p2 .LBB2_20-.Ltmp22, $3  }
0x207: {  	_ =	sdelay $0x1  }
0x208: {  	s7 =	sadd.s32 $0x80, s7;
	v9 =	vadd.f32 v9, v10  }
0x209: {  	s12 =	sand.u32 $0x70, s10;
	s11 =	sand.u32 $0x1C00, s7;
	s10 =	sadd.s32 $0x10, s10  }
0x20a: {  	s7 =	sadd.s32 s11, s17;
	s10 =	sor.u32 s12, s11;
	[tilespmem:s6+$0x0] =	vst v9  }
0x20b: {  	s17 =	sadd.s32 s12, s7;
	v9 =	vld [tilespmem:s10+$0x18280]  }
0x20c: {  	v10 =	vld [tilespmem:s17+$0x0];
	_ =	sdelay $0x1  }
0x20d: {  	p2 =	slt.u32 s16, s25  }
.Ltmp23:
0x20e: {  	_ = 	snop;
	(pc) =	sbr.rel @p2 .LBB2_19-.Ltmp23, $4  }
.Ltmp24:
0x20f: {  	_ = 	snop;
	(pc) =	sbr.rel @!p2 .LBB2_22-.Ltmp24, $4  }
0x210: {  	v9 =	vadd.f32 v9, v10  }
0x211: {  	s19 =	sadd.s32 $0x1, s16  }
0x212: {  	s16 =	smov.u32 s19;
	[tilespmem:s17+$0x0] =	vst v9  }
0x213: {  	_ = 	snop  }
.LBB2_23:
0x214: {  	s6 =	sor.u32 s5, s26  }
0x215: {  	s6 =	sshrl.u32 s6, $0x3  }
0x216: {  	s6 =	smul.u32 $0x300, s6;
	_ =	sdelay $0x1  }
0x217: {  	s6 =	sadd.s32 s3, s6  }
0x218: {  	[hbm4b:s6+s4] =	stream.linear.scatter [tilespmem:s18], [sflag:$0x7], $0x6000, $0x38;
	[tilespmem:$0x1B280] =	vst v63  }
0x219: {  	s6 =	simm.s32 @!p1 $0x6  }
0x21a: {  	_ =	swait.ge @!p1 [sflag:s6], $0x6000  }
0x21b: {  	[sflag:s6] =	ssyncset.done @!p1 $0x0  }
0x21c: {  	[sflag:s6] =	ssyncadd.s32 @!p1 $0xFFFFA000  }
0x21d: {  	v8 =	vld @!p1 [tilespmem:s28+$0xA8];
	_ =	sdelay $0x4  }
0x21e: {  	v9 =	vshrl.u32 @!p1 v8, $0x3  }
0x21f: {  	v9 =	vmul.u32 @!p1 $0x30, v9  }
0x220: {  	v8 =	vand.u32 @!p1 $0x7, v8  }
0x221: {  	v8 =	vor.u32 @!p1 v8, v9  }
0x222: {  	v9 =	vperm.xlane @!p1 v8, v6;
	_ =	sdelay $0x1  }
0x223: {  	v9 =	vadd.s32 @!p1 v5, v9;
	_ =	sdelay $0x3  }
0x224: {  	s6 =	simm.s32 @!p1 $0x6280;
	v8 =	vperm.xlane @!p1 v8, v7  }
0x225: {  	[tilespmem:s6], [sflag:$0x2] =	stream.indirect_vreg.gather @!p1 [hbm4b:s1+s29], $0x80, v9, vm1, $0xb8;
	[tilespmem:$0x1B280] =	vst v63  }
0x226: {  	v8 =	vadd.s32 @!p1 v5, v8;
	s6 =	simm.s32 @!p1 $0x6A80  }
0x227: {  	[tilespmem:s6], [sflag:$0x2] =	stream.indirect_vreg.gather @!p1 [hbm4b:s8+s29], $0x80, v9, vm1, $0xb8;
	[tilespmem:$0x1B280] =	vst v63  }
0x228: {  	s6 =	simm.s32 @!p1 $0x7280  }
0x229: {  	[tilespmem:s6], [sflag:$0x2] =	stream.indirect_vreg.gather @!p1 [hbm4b:s9+s29], $0x80, v9, vm1, $0xb8;
	[tilespmem:$0x1B280] =	vst v63  }
0x22a: {  	s6 =	simm.s32 @!p1 $0x7A80  }
0x22b: {  	[tilespmem:s6], [sflag:$0x2] =	stream.indirect_vreg.gather @!p1 [hbm4b:s1+s29], $0x80, v8, vm1, $0xb8;
	[tilespmem:$0x1B280] =	vst v63  }
0x22c: {  	s6 =	simm.s32 @!p1 $0x8280  }
0x22d: {  	[tilespmem:s6], [sflag:$0x2] =	stream.indirect_vreg.gather @!p1 [hbm4b:s8+s29], $0x80, v8, vm1, $0xb8;
	[tilespmem:$0x1B280] =	vst v63  }
0x22e: {  	s6 =	simm.s32 @!p1 $0x8A80  }
0x22f: {  	[tilespmem:s6], [sflag:$0x2] =	stream.indirect_vreg.gather @!p1 [hbm4b:s9+s29], $0x80, v8, vm1, $0xb8;
	[tilespmem:$0x1B280] =	vst v63  }
0x230: {  	v8 =	vld @!p1 [tilespmem:s28+$0xB8];
	_ =	sdelay $0x4  }
0x231: {  	v9 =	vshrl.u32 @!p1 v8, $0x3  }
0x232: {  	v9 =	vmul.u32 @!p1 $0x30, v9  }
0x233: {  	v8 =	vand.u32 @!p1 $0x7, v8  }
0x234: {  	v8 =	vor.u32 @!p1 v8, v9  }
0x235: {  	v6 =	vperm.xlane @!p1 v8, v6;
	_ =	sdelay $0x1  }
0x236: {  	v6 =	vadd.s32 @!p1 v5, v6;
	_ =	sdelay $0x3  }
0x237: {  	s6 =	simm.s32 @!p1 $0x9280;
	v7 =	vperm.xlane @!p1 v8, v7  }
0x238: {  	[tilespmem:s6], [sflag:$0x2] =	stream.indirect_vreg.gather @!p1 [hbm4b:s1+s29], $0x80, v6, vm1, $0xb8;
	[tilespmem:$0x1B280] =	vst v63  }
0x239: {  	v5 =	vadd.s32 @!p1 v5, v7;
	s6 =	simm.s32 @!p1 $0x9A80  }
0x23a: {  	[tilespmem:s6], [sflag:$0x2] =	stream.indirect_vreg.gather @!p1 [hbm4b:s8+s29], $0x80, v6, vm1, $0xb8;
	[tilespmem:$0x1B280] =	vst v63  }
0x23b: {  	s6 =	simm.s32 @!p1 $0xA280  }
0x23c: {  	[tilespmem:s6], [sflag:$0x2] =	stream.indirect_vreg.gather @!p1 [hbm4b:s9+s29], $0x80, v6, vm1, $0xb8;
	[tilespmem:$0x1B280] =	vst v63  }
0x23d: {  	s6 =	simm.s32 @!p1 $0xAA80  }
0x23e: {  	[tilespmem:s6], [sflag:$0x2] =	stream.indirect_vreg.gather @!p1 [hbm4b:s1+s29], $0x80, v5, vm1, $0xb8;
	[tilespmem:$0x1B280] =	vst v63  }
0x23f: {  	s6 =	simm.s32 @!p1 $0xB280  }
0x240: {  	[tilespmem:s6], [sflag:$0x2] =	stream.indirect_vreg.gather @!p1 [hbm4b:s8+s29], $0x80, v5, vm1, $0xb8;
	[tilespmem:$0x1B280] =	vst v63  }
0x241: {  	s6 =	simm.s32 @!p1 $0xBA80  }
0x242: {  	[tilespmem:s6], [sflag:$0x2] =	stream.indirect_vreg.gather @!p1 [hbm4b:s9+s29], $0x80, v5, vm1, $0xb8;
	[tilespmem:$0x1B280] =	vst v63  }
0x243: {  	_ =	swait.ge [sflag:s23], $0x6000  }
0x244: {  	[sflag:s23] =	ssyncset.done $0x0  }
0x245: {  	s29 =	sor.u32 $0x64, s24;
	[sflag:s23] =	ssyncadd.s32 $0xFFFFA000  }
0x246: {  	s30 =	sor.u32 $0x74, s24;
	v5 =	vld [tilespmem:s29+$0x0]  }
0x247: {  	v6 =	vld [tilespmem:s30+$0x0]  }
0x248: {  	v7 =	vld [tilespmem:s24+$0x24];
	_ =	sdelay $0x3  }
0x249: {  	vm1 =	veq.s32 v5, $0x5;
	vm2 =	veq.s32 v6, $0x5  }
0x24a: {  	vm1 =	vmor vm1, vm2;
	vm2 =	veq.s32 v7, $0x5  }
0x24b: {  	vm1 =	vmor vm1, vm2  }
0x24c: {  	v5 =	vmpcnt.ones.xlane vm1;
	_ =	sdelay $0x1  }
0x24d: {  	(v2sf) =	vpush v5, $0x0;
	_ =	sdelay $0xe  }
0x24e: {  	s31 =	spop (v2sf)  }
0x24f: {  	p1 =	slt.s32 s31, $0x1  }
.Ltmp25:
0x250: {  	_ = 	snop;
	(pc) =	sbr.rel @p1 .LBB2_30-.Ltmp25, $1  }
0x251: {  	_ =	sdelay $0x3  }
.Ltmp26:
0x252: {  	(pc) =	sbr.rel .LBB2_25-.Ltmp26, $3  }
0x253: {  	_ =	sdelay $0x1  }
0x254: {  	s26 =	sadd.s32 $0xFFFFFFFC, s24  }
0x255: {  	s14 =	sor.u32 $0x1F, s24;
	s28 =	simm.s32 $0x0;
	v5 =	vmov s26  }
.LBB2_29:
0x256: {  	s28 =	sadd.s32 $0x1, s28  }
0x257: {  	p1 =	sne.s32 s28, $0x23  }
.Ltmp27:
0x258: {  	_ = 	snop;
	(pc) =	sbr.rel @!p1 .LBB2_30-.Ltmp27, $1  }
0x259: {  	_ =	sdelay $0x3  }
.LBB2_25:
0x25a: {  	_ =	sdelay $0x3  }
0x25b: {  	v6 =	vld.idx.msk [tilespmem:v5+s28+$0x8 ss:$0x1], $0xffff;
	_ =	sdelay $0x4  }
0x25c: {  	(v2sf) =	vpush v6, $0x0  }
0x25d: {  	(v2sf) =	vpush v6, $0x1;
	_ =	sdelay $0xd  }
0x25e: {  	s6 =	spop (v2sf)  }
0x25f: {  	s7 =	spop (v2sf)  }
0x260: {  	p1 =	sne.s32 s7, $0x5  }
0x261: {  	p2 =	seq.s32 @!p1 s6, $0x5  }
0x262: {  	p1 =	por p1, p2  }
0x263: {  	v6 =	vbroadcast @!p1 v6, $0x0;
	_ =	sdelay $0x1  }
0x264: {  	v7 =	vshrl.u32 @!p1 v6, $0x3  }
0x265: {  	v7 =	vmul.u32 @!p1 $0x30, v7  }
0x266: {  	v8 =	vlaneseq.u32 @!p1;
	v6 =	vand.u32 @!p1 $0x7, v6  }
0x267: {  	v9 =	vshrl.u32 @!p1 v8, $0x3;
	v6 =	vor.u32 @!p1 v6, v7;
	v7 =	vand.u32 @!p1 $0x7, v8  }
0x268: {  	v9 =	vmul.u32 @!p1 $0x8, v9;
	v7 =	vperm.xlane @!p1 v6, v7;
	_ =	sdelay $0x1  }
0x269: {  	v7 =	vadd.s32 @!p1 v9, v7;
	_ =	sdelay $0x2  }
0x26a: {  	v8 =	vor.u32 @!p1 $0x8, v8  }
0x26b: {  	vm1 =	vmmov @!p1 $0xffff;
	s6 =	simm.s32 @!p1 $0x0;
	s7 =	simm.s32 @!p1 $0x18280;
	v6 =	vperm.xlane @!p1 v6, v8  }
0x26c: {  	[tilespmem:s7], [sflag:$0x9] =	stream.indirect_vreg.gather @!p1 [hbm4b:s1+s6], $0x80, v7, vm1, $0xb8;
	[tilespmem:$0x1B280] =	vst v63  }
0x26d: {  	v6 =	vadd.s32 @!p1 v9, v6;
	s7 =	simm.s32 @!p1 $0x18A80  }
0x26e: {  	[tilespmem:s7], [sflag:$0x9] =	stream.indirect_vreg.gather @!p1 [hbm4b:s8+s6], $0x80, v7, vm1, $0xb8;
	[tilespmem:$0x1B280] =	vst v63  }
0x26f: {  	s7 =	simm.s32 @!p1 $0x19280  }
0x270: {  	[tilespmem:s7], [sflag:$0x9] =	stream.indirect_vreg.gather @!p1 [hbm4b:s9+s6], $0x80, v7, vm1, $0xb8;
	[tilespmem:$0x1B280] =	vst v63  }
0x271: {  	s15 =	sadd.s32 s28, s26;
	s7 =	simm.s32 @!p1 $0x19A80  }
0x272: {  	[tilespmem:s7], [sflag:$0x9] =	stream.indirect_vreg.gather @!p1 [hbm4b:s1+s6], $0x80, v6, vm1, $0xb8;
	[tilespmem:$0x1B280] =	vst v63  }
0x273: {  	s16 =	ssub.s32 @!p1 s24, s15;
	s7 =	simm.s32 @!p1 $0x1A280  }
0x274: {  	[tilespmem:s7], [sflag:$0x9] =	stream.indirect_vreg.gather @!p1 [hbm4b:s8+s6], $0x80, v6, vm1, $0xb8;
	[tilespmem:$0x1B280] =	vst v63  }
0x275: {  	p2 =	sgt.s32 @!p1 s16, $0x1;
	s7 =	simm.s32 @!p1 $0x1AA80  }
0x276: {  	[tilespmem:s7], [sflag:$0x9] =	stream.indirect_vreg.gather @!p1 [hbm4b:s9+s6], $0x80, v6, vm1, $0xb8;
	[tilespmem:$0x1B280] =	vst v63  }
0x277: {  	p2 =	por !p2, p1;
	s6 =	ssub.s32 @!p1 s14, s15  }
0x278: {  	s16 =	simm.s32 @p2 $0x1;
	s25 =	smin.u32 @!p1 s6, $0x4  }
0x279: {  	p2 =	sgt.u32 @!p1 s16, s25  }
0x27a: {  	p2 =	por p1, p2  }
.Ltmp28:
0x27b: {  	_ = 	snop;
	(pc) =	sbr.rel @p2 .LBB2_29-.Ltmp28, $4  }
0x27c: {  	s7 =	simm.s32 @!p1 $0x9  }
0x27d: {  	_ =	swait.ge @!p1 [sflag:s7], $0x3000  }
0x27e: {  	[sflag:s7] =	ssyncset.done @!p1 $0x0  }
0x27f: {  	[sflag:s7] =	ssyncadd.s32 @!p1 $0xFFFFD000  }
.LBB2_26:
0x280: {  	s6 =	sadd.s32 s15, s16  }
0x281: {  	s7 =	ssub.s32 s6, s24  }
0x282: {  	s7 =	sshrl.u32 s7, $0x3  }
0x283: {  	s7 =	smul.u32 $0x6000, s7  }
0x284: {  	s6 =	sshll.u32 s6, $0x7  }
0x285: {  	s6 =	sand.u32 $0x380, s6;
	s7 =	sshra.s32 s7, $0x2  }
0x286: {  	s29 =	simm.s32 $0x0;
	s6 =	sor.u32 s6, s7  }
0x287: {  	s30 =	sand.u32 $0x70, s29;
	s7 =	sand.u32 $0x1C00, s29;
	s17 =	sadd.s32 $0x12280, s6  }
0x288: {  	s10 =	sadd.s32 s7, s17;
	s7 =	sor.u32 s30, s7  }
0x289: {  	s6 =	sadd.s32 s30, s10;
	v6 =	vld [tilespmem:s7+$0x18280]  }
0x28a: {  	v7 =	vld [tilespmem:s6+$0x0];
	_ =	sdelay $0x4  }
0x28b: {  	s31 =	simm.s32 $0x10;
	s7 =	simm.s32 $0x80;
	v6 =	vadd.f32 v6, v7  }
0x28c: {  	s12 =	sand.u32 $0x70, s31;
	s10 =	simm.s32 $0x20;
	s11 =	sand.u32 $0x1C00, s7  }
.LBB2_27:
0x28d: {  	p1 =	sne.s32 s10, $0x2F0;
	s19 =	sadd.s32 s11, s17;
	s11 =	sor.u32 s12, s11;
	[tilespmem:s6+$0x0] =	vst v6  }
0x28e: {  	s6 =	sadd.s32 s12, s19;
	v6 =	vld [tilespmem:s11+$0x18280]  }
0x28f: {  	v7 =	vld [tilespmem:s6+$0x0];
	_ =	sdelay $0x1  }
.Ltmp29:
0x290: {  	(pc) =	sbr.rel @p1 .LBB2_27-.Ltmp29, $3  }
0x291: {  	_ =	sdelay $0x1  }
0x292: {  	s7 =	sadd.s32 $0x80, s7;
	v6 =	vadd.f32 v6, v7  }
0x293: {  	s12 =	sand.u32 $0x70, s10;
	s11 =	sand.u32 $0x1C00, s7;
	s10 =	sadd.s32 $0x10, s10  }
0x294: {  	s7 =	sadd.s32 s11, s17;
	s10 =	sor.u32 s12, s11;
	[tilespmem:s6+$0x0] =	vst v6  }
0x295: {  	s30 =	sadd.s32 s12, s7;
	v6 =	vld [tilespmem:s10+$0x18280]  }
0x296: {  	v7 =	vld [tilespmem:s30+$0x0];
	_ =	sdelay $0x1  }
0x297: {  	p1 =	slt.u32 s16, s25  }
.Ltmp30:
0x298: {  	_ = 	snop;
	(pc) =	sbr.rel @p1 .LBB2_26-.Ltmp30, $4  }
.Ltmp31:
0x299: {  	_ = 	snop;
	(pc) =	sbr.rel @!p1 .LBB2_29-.Ltmp31, $4  }
0x29a: {  	v6 =	vadd.f32 v6, v7  }
0x29b: {  	s31 =	sadd.s32 $0x1, s16  }
0x29c: {  	s16 =	smov.u32 s31;
	[tilespmem:s30+$0x0] =	vst v6  }
0x29d: {  	_ = 	snop  }
.LBB2_32:
0x29e: {  	_ =	sfence.sel $0x180000  }
0x29f: {  	[bflag:$0x0] =	sbarrier.arrive $0xFFFF  }
0x2a0: {  	_ =	strace $0x90000047  }
0x2a1: {  	s0 =	stileid.u32;
	[bflag:$0x2] =	sbarrier.arrive $0xFFFF  }
0x2a2: {  	p0 =	sne.s32 s0, $0x0;
	s0 =	rddreg [dreg:$0x3]  }
0x2a3: {  	s0 =	sadd.s32 @!p0 $0x100000, s0  }
0x2a4: {  	[sflag:s0] =	ssyncadd.tile.s32 @!p0 $0x1;
	_ =	shalt  }
.Lfunc_end2:
_tile_overlayer_lowered:
.L_overlay_start_2:
0x2a5: {  	(tag) =	ssettag $0x2  }
0x2a6: {  	s0 =	rddreg [dreg:$0x0];
	s2 =	stileid.u32  }
0x2a7: {  	s1 =	rddreg [dreg:$0x1];
	p0 =	sne.s32 s2, $0x0  }
0x2a8: {  	s3 =	rddreg [dreg:$0x2];
	[bflag:$0x3] =	sbarrier.arrive $0xFFFF;
	s2 =	simm.s32 @!p0 $0x1C0A  }
0x2a9: {  	[timem:s3], [sflag:s2] =	dma.local @!p0 [hbm:s0], s1  }
0x2aa: {  	s0 =	simm.s32 @!p0 $0xA  }
0x2ab: {  	_ =	swait.ge @!p0 [sflag:s0], s1  }
0x2ac: {  	s1 =	ssub.s32 @!p0 $0x0, s1;
	[sflag:s0] =	ssyncset.done @!p0 $0x0  }
0x2ad: {  	[sflag:s0] =	ssyncadd.s32 @!p0 s1  }
0x2ae: {  	[bflag:$0x3] =	sbarrier.arrive $0xFFFF  }
0x2af: {  	_ =	shalt  }

</sc_bundles>
